<compile_context>
chip_gen: v7x
topology: tpu7x:2x2x1
jax: 0.10.2.dev20260603
libtpu: 0.0.44.dev20260713+nightly
codegen_flags: <defaults>
</compile_context>

<pallas_src>
import functools

import jax
import jax.numpy as jnp
from jax import lax
from jax.experimental import pallas as pl
from jax.experimental.pallas import tpu as pltpu
from jax.experimental.pallas import tpu_sc as plsc

_N = 10000
_E = 320000
_IN = 128
_HID = 64
_OUTD = 128
_G = 256

_NP = 10240
_NC = 2
_NS = 16
_NW = _NC * _NS
_CH = 128
_NCH = 80
_EPT = _CH * _NCH
_EP = _EPT * _NW
_GO = _NCH // 4
_NCH2 = 79
_EPT2 = _CH * _NCH2
_EP2 = _EPT2 * _NW
_RPT = _NP // _NS
_BLK = 512
_NB = _NP // _BLK
_DISCARD = _N + 128



def _deg_body(dst_hbm, out_hbm, dst_all, ones_v, zero_v, acc, ssem):
    cid = lax.axis_index("c")
    sid = lax.axis_index("s")
    wid = sid * _NC + cid

    pltpu.sync_copy(dst_hbm.at[wid], dst_all)

    def _init(i, carry):
        ones_v[i, :] = jnp.ones((16,), jnp.float32)
        zero_v[i, :] = jnp.zeros((16,), jnp.float32)
        return carry

    lax.fori_loop(0, _CH, _init, 0)
    for k in range(_RPT // _CH):
        pltpu.sync_copy(zero_v, acc.at[pl.ds(sid * _RPT + k * _CH, _CH)])
    plsc.subcore_barrier()

    def _outer(g, carry):
        for b in range(4):
            @pl.when(g > 0)
            def _():
                pltpu.make_async_copy(
                    ones_v, acc.at[dst_all.at[4 * (g - 1) + b]],
                    ssem.at[b]).wait()
            pltpu.async_copy(
                ones_v, acc.at[dst_all.at[4 * g + b]], ssem.at[b], add=True)
        return carry

    lax.fori_loop(0, _GO, _outer, 0)
    for b in range(4):
        pltpu.make_async_copy(
            ones_v, acc.at[dst_all.at[4 * (_GO - 1) + b]], ssem.at[b]).wait()
    plsc.subcore_barrier()
    pltpu.sync_copy(acc.at[pl.ds(sid * _RPT, _RPT)],
                    out_hbm.at[cid].at[pl.ds(sid * _RPT, _RPT)])


def _scatter_body(src_hbm, dst_hbm, y_hbm, out_hbm,
                  src_v, dst_v, rows_v, zero_v, acc, sem):
    cid = lax.axis_index("c")
    sid = lax.axis_index("s")
    wid = sid * _NC + cid

    def _init(i, carry):
        z = jnp.zeros((16,), jnp.float32)
        for j in range(_HID // 16):
            zero_v[i, pl.ds(j * 16, 16)] = z
        return carry

    lax.fori_loop(0, _CH, _init, 0)
    for k in range(_RPT // _CH):
        pltpu.sync_copy(zero_v, acc.at[pl.ds(sid * _RPT + k * _CH, _CH)])
    plsc.subcore_barrier()

    def _chunk(j, carry):
        off = wid * _EPT2 + j * _CH
        pltpu.sync_copy(src_hbm.at[pl.ds(off, _CH)], src_v)
        pltpu.sync_copy(dst_hbm.at[pl.ds(off, _CH)], dst_v)
        pltpu.async_copy(y_hbm.at[src_v], rows_v, sem).wait()
        pltpu.sync_copy(rows_v, acc.at[dst_v], add=True)
        return carry

    lax.fori_loop(0, _NCH2, _chunk, 0)

    plsc.subcore_barrier()
    pltpu.sync_copy(acc.at[pl.ds(sid * _RPT, _RPT)],
                    out_hbm.at[cid].at[pl.ds(sid * _RPT, _RPT)])


@functools.cache
def _sc_kernels():
    mesh = plsc.VectorSubcoreMesh(
        core_axis_name="c", subcore_axis_name="s")
    params = pltpu.CompilerParams(use_tc_tiling_on_sc=False)
    deg = pl.kernel(
        _deg_body,
        mesh=mesh,
        compiler_params=params,
        out_type=jax.ShapeDtypeStruct((_NC, _NP, 16), jnp.float32),
        scratch_types=[
            pltpu.VMEM((_NCH, _CH), jnp.int32),
            pltpu.VMEM((_CH, 16), jnp.float32),
            pltpu.VMEM((_CH, 16), jnp.float32),
            pltpu.VMEM_SHARED((_NP, 16), jnp.float32),
            pltpu.SemaphoreType.DMA((4,)),
        ],
    )
    scatter = pl.kernel(
        _scatter_body,
        mesh=mesh,
        compiler_params=params,
        out_type=jax.ShapeDtypeStruct((_NC, _NP, _HID), jnp.float32),
        scratch_types=[
            pltpu.VMEM((_CH,), jnp.int32),
            pltpu.VMEM((_CH,), jnp.int32),
            pltpu.VMEM((_CH, _HID), jnp.float32),
            pltpu.VMEM((_CH, _HID), jnp.float32),
            pltpu.VMEM_SHARED((_NP, _HID), jnp.float32),
            pltpu.SemaphoreType.DMA,
        ],
    )
    return deg, scatter



def _dinv_of(cnt_blk):
    c = cnt_blk[0] + cnt_blk[1]
    return lax.rsqrt(c[:, 0:1] + 1.0)


def _l1_body(cnt_ref, x_ref, w1_ref, y_ref):
    dinv = _dinv_of(cnt_ref[...])
    xw = jnp.dot(x_ref[...], w1_ref[...], preferred_element_type=jnp.float32)
    y_ref[...] = xw * dinv


def _l2_body(cnt_ref, p_ref, y1_ref, w2_ref, b1_ref, y2_ref):
    dinv = _dinv_of(cnt_ref[...])
    h1 = jnp.maximum(dinv * (p_ref[0] + p_ref[1] + y1_ref[...]) + b1_ref[...], 0.0)
    y2_ref[...] = jnp.dot(h1, w2_ref[...], preferred_element_type=jnp.float32) * dinv


def _pool_body(cnt_ref, q_ref, y2_ref, batch_ref, b2_ref,
               wm1_ref, bm1_ref, wm2_ref, bm2_ref, out_ref, sums_ref, cg_ref):
    i = pl.program_id(0)
    dinv = _dinv_of(cnt_ref[...])
    h2 = jnp.maximum(dinv * (q_ref[0] + q_ref[1] + y2_ref[...]) + b2_ref[...], 0.0)

    b = batch_ref[0]
    gsel = jnp.broadcast_to(b, (_G, _BLK))
    grow = lax.broadcasted_iota(jnp.int32, (_G, _BLK), 0)
    node = i * _BLK + lax.broadcasted_iota(jnp.int32, (_G, _BLK), 1)
    mt = jnp.where((gsel == grow) & (node < _N), 1.0, 0.0)

    @pl.when(i == 0)
    def _():
        sums_ref[...] = jnp.zeros_like(sums_ref)
        cg_ref[...] = jnp.zeros_like(cg_ref)

    sums_ref[...] += jnp.dot(mt, h2, preferred_element_type=jnp.float32)
    cg_ref[...] += jnp.dot(mt, jnp.ones((_BLK, 1), jnp.float32),
                           preferred_element_type=jnp.float32)

    @pl.when(i == _NB - 1)
    def _():
        pooled = sums_ref[...] / jnp.maximum(cg_ref[...], 1.0)
        hid = jnp.maximum(
            jnp.dot(pooled, wm1_ref[...], preferred_element_type=jnp.float32)
            + bm1_ref[...], 0.0)
        out_ref[...] = (jnp.dot(hid, wm2_ref[...], preferred_element_type=jnp.float32)
                        + bm2_ref[...])


_cnt_spec = pl.BlockSpec((_NC, _BLK, 16), lambda i: (0, i, 0))
_row_spec = pl.BlockSpec((_BLK, _HID), lambda i: (i, 0))
_par_spec = pl.BlockSpec((_NC, _BLK, _HID), lambda i: (0, i, 0))


def _l1_call(cnt, xp, W1):
    return pl.pallas_call(
        _l1_body,
        grid=(_NB,),
        in_specs=[
            _cnt_spec,
            pl.BlockSpec((_BLK, _IN), lambda i: (i, 0)),
            pl.BlockSpec((_IN, _HID), lambda i: (0, 0)),
        ],
        out_specs=_row_spec,
        out_shape=jax.ShapeDtypeStruct((_NP, _HID), jnp.float32),
    )(cnt, xp, W1)


def _l2_call(cnt, p, y1, W2, b1):
    return pl.pallas_call(
        _l2_body,
        grid=(_NB,),
        in_specs=[
            _cnt_spec,
            _par_spec,
            _row_spec,
            pl.BlockSpec((_HID, _HID), lambda i: (0, 0)),
            pl.BlockSpec((1, _HID), lambda i: (0, 0)),
        ],
        out_specs=_row_spec,
        out_shape=jax.ShapeDtypeStruct((_NP, _HID), jnp.float32),
    )(cnt, p, y1, W2, b1)


def _pool_call(cnt, q, y2, batchp, b2, Wm1, bm1, Wm2, bm2):
    return pl.pallas_call(
        _pool_body,
        grid=(_NB,),
        in_specs=[
            _cnt_spec,
            _par_spec,
            _row_spec,
            pl.BlockSpec((1, 1, _BLK), lambda i: (i, 0, 0)),
            pl.BlockSpec((1, _HID), lambda i: (0, 0)),
            pl.BlockSpec((_HID, _HID), lambda i: (0, 0)),
            pl.BlockSpec((1, _HID), lambda i: (0, 0)),
            pl.BlockSpec((_HID, _OUTD), lambda i: (0, 0)),
            pl.BlockSpec((1, _OUTD), lambda i: (0, 0)),
        ],
        out_specs=pl.BlockSpec((_G, _OUTD), lambda i: (0, 0)),
        out_shape=jax.ShapeDtypeStruct((_G, _OUTD), jnp.float32),
        scratch_shapes=[
            pltpu.VMEM((_G, _HID), jnp.float32),
            pltpu.VMEM((_G, 1), jnp.float32),
        ],
    )(cnt, q, y2, batchp, b2, Wm1, bm1, Wm2, bm2)


def kernel(x, edge_index, batch, W1, b1, W2, b2, Wm1, bm1, Wm2, bm2):
    src = edge_index[0].astype(jnp.int32)
    dst = edge_index[1].astype(jnp.int32)
    pad_dst = _N + (jnp.arange(_EP - _E, dtype=jnp.int32) % (_NP - _N))
    dstp = jnp.concatenate([dst, pad_dst]).reshape(_NW, _NCH, _CH)
    pad_dst2 = _N + (jnp.arange(_EP2 - _E, dtype=jnp.int32) % (_NP - _N))
    srcp2 = jnp.concatenate([src, jnp.zeros((_EP2 - _E,), jnp.int32)])
    dstp2 = jnp.concatenate([dst, pad_dst2])
    xp = jnp.concatenate([x, jnp.zeros((_NP - _N, _IN), x.dtype)])
    batchp = jnp.concatenate(
        [batch.astype(jnp.int32), jnp.zeros((_NP - _N,), jnp.int32)]
    ).reshape(_NB, 1, _BLK)

    deg_kernel, scatter_kernel = _sc_kernels()
    cnt = deg_kernel(dstp)
    y1 = _l1_call(cnt, xp, W1)
    p = scatter_kernel(srcp2, dstp2, y1)
    y2 = _l2_call(cnt, p, y1, W2, b1.reshape(1, _HID))
    q = scatter_kernel(srcp2, dstp2, y2)
    return _pool_call(cnt, q, y2, batchp, b2.reshape(1, _HID),
                      Wm1, bm1.reshape(1, _HID), Wm2, bm2.reshape(1, _OUTD))

# --- scband reference (transcript-rebuilt; emitter-appended) ---
"""Pipeline reference for scband-molecular-encoder-90589450207900 (READ-ONLY COPY).

The authoritative reference and input builder live on the scoring server;
editing this copy changes nothing except your own understanding.
"""

import jax, jax.numpy as jnp
import numpy as np

N = 10000
E = 320000
IN_DIM = 128
HID = 64
OUT = 128
NUM_GRAPHS = 256


def setup_inputs(seed: int = 0):
    key = jax.random.key(seed)
    ks = jax.random.split(key, 12)
    x = jax.random.normal(ks[0], (N, IN_DIM), dtype=jnp.float32)
    edge_index = jax.random.randint(ks[1], (2, E), 0, N)
    batch = jnp.sort(jax.random.randint(ks[2], (N,), 0, NUM_GRAPHS))
    W1 = jax.random.normal(ks[3], (IN_DIM, HID), dtype=jnp.float32) / np.sqrt(IN_DIM)
    b1 = jnp.zeros((HID,), dtype=jnp.float32)
    W2 = jax.random.normal(ks[4], (HID, HID), dtype=jnp.float32) / np.sqrt(HID)
    b2 = jnp.zeros((HID,), dtype=jnp.float32)
    Wm1 = jax.random.normal(ks[5], (HID, HID), dtype=jnp.float32) / np.sqrt(HID)
    bm1 = jnp.zeros((HID,), dtype=jnp.float32)
    Wm2 = jax.random.normal(ks[6], (HID, OUT), dtype=jnp.float32) / np.sqrt(HID)
    bm2 = jnp.zeros((OUT,), dtype=jnp.float32)
    return {"x": x, "edge_index": edge_index, "batch": batch,
            "W1": W1, "b1": b1, "W2": W2, "b2": b2,
            "Wm1": Wm1, "bm1": bm1, "Wm2": Wm2, "bm2": bm2}


def gcn_conv(x, edge_index, W, b):
    # PyG GCNConv: x' = D^{-1/2} (A + I) D^{-1/2} (x W) + b
    n = x.shape[0]
    src = edge_index[0]
    dst = edge_index[1]
    loop = jnp.arange(n, dtype=src.dtype)
    src = jnp.concatenate([src, loop])
    dst = jnp.concatenate([dst, loop])
    xw = x @ W
    deg = jax.ops.segment_sum(jnp.ones_like(dst, dtype=x.dtype), dst, num_segments=n)
    dinv = jnp.where(deg > 0, deg ** -0.5, 0.0)
    norm = dinv[src] * dinv[dst]
    msg = xw[src] * norm[:, None]
    out = jax.ops.segment_sum(msg, dst, num_segments=n)
    return out + b


def reference(x, edge_index, batch, W1, b1, W2, b2, Wm1, bm1, Wm2, bm2):
    h = jax.nn.relu(gcn_conv(x, edge_index, W1, b1))
    h = jax.nn.relu(gcn_conv(h, edge_index, W2, b2))
    sums = jax.ops.segment_sum(h, batch, num_segments=NUM_GRAPHS)
    counts = jax.ops.segment_sum(jnp.ones((h.shape[0],), dtype=h.dtype), batch, num_segments=NUM_GRAPHS)
    pooled = sums / jnp.maximum(counts, 1.0)[:, None]
    hidden = jax.nn.relu(pooled @ Wm1 + bm1)
    return hidden @ Wm2 + bm2

if __name__ == "__main__":
    import jax
    _d = setup_inputs()
    print(jax.jit(kernel)(*tuple(_d.values())))

</pallas_src>

<mosaic_0001>
#map = affine_map<(d0, d1) -> (0)>
#map1 = affine_map<(d0, d1) -> (0, 0)>
#map2 = affine_map<(d0, d1) -> (0, 0, 0)>
module attributes {stable_mosaic.version = 14 : i64} {
  func.func @_scatter_body(%arg0: i32, %arg1: i32, %arg2: memref<323584xi32, #tpu.memory_space<hbm>>, %arg3: memref<323584xi32, #tpu.memory_space<hbm>>, %arg4: memref<10240x64xf32, #tpu.memory_space<hbm>>, %arg5: memref<2x10240x64xf32, #tpu.memory_space<hbm>>, %arg6: memref<128xi32, #tpu.memory_space<vmem>>, %arg7: memref<128xi32, #tpu.memory_space<vmem>>, %arg8: memref<128x64xf32, #tpu.memory_space<vmem>>, %arg9: memref<128x64xf32, #tpu.memory_space<vmem>>, %arg10: memref<10240x64xf32, #tpu.memory_space<vmem_shared>>, %arg11: memref<!tpu.dma_semaphore, #tpu.memory_space<semaphore_mem>>) attributes {dimension_semantics = [#tpu.dimension_semantics<core_parallel>, #tpu.dimension_semantics<subcore_parallel>], iteration_bounds = array<i64: 2, 16>, scalar_prefetch = 0 : i64, scratch_operands = 6 : i64, tpu.core_type = #tpu.core_type<sc_vector_subcore>, window_params = [{transform_indices = #map}, {transform_indices = #map}, {transform_indices = #map1}, {transform_indices = #map2}]} {
    %mul3A = arith.constant 2 : i32
    %mul3A_0 = arith.muli %arg1, %mul3A : i32
    %add3A = arith.addi %mul3A_0, %arg0 : i32
    %scan3A = arith.constant 0 : i32
    %scan3A_1 = arith.constant 0 : i32
    %scan3A_2 = arith.constant 128 : i32
    %scan3A_3 = arith.addi %scan3A_1, %scan3A_2 : i32
    %scan3A_4 = arith.constant 1 : i32
    scf.for %scan3A_37 = %scan3A_1 to %scan3A_3 step %scan3A_4  : i32 {
      %broadcast_in_dim3A = arith.constant 0.000000e+00 : f32
      %broadcast_in_dim3A_38 = vector.broadcast %broadcast_in_dim3A : f32 to vector<16xf32>
      %swap3A = arith.index_cast %scan3A_37 : i32 to index
      %swap3A_39 = arith.constant 0 : index
      %swap3A_40 = tpu.vector_load %arg9[%swap3A, %swap3A_39] {strides = array<i32>} : memref<128x64xf32, #tpu.memory_space<vmem>>, vector<1x16xf32>,
      %swap3A_41 = vector.shape_cast %swap3A_40 : vector<1x16xf32> to vector<16xf32>
      %swap3A_42 = vector.shape_cast %broadcast_in_dim3A_38 : vector<16xf32> to vector<1x16xf32>
      tpu.vector_store %arg9[%swap3A, %swap3A_39], %swap3A_42 {strides = array<i32>} : memref<128x64xf32, #tpu.memory_space<vmem>>, vector<1x16xf32>,
      %swap3A_43 = arith.index_cast %scan3A_37 : i32 to index
      %swap3A_44 = arith.constant 16 : index
      %swap3A_45 = tpu.vector_load %arg9[%swap3A_43, %swap3A_44] {strides = array<i32>} : memref<128x64xf32, #tpu.memory_space<vmem>>, vector<1x16xf32>,
      %swap3A_46 = vector.shape_cast %swap3A_45 : vector<1x16xf32> to vector<16xf32>
      %swap3A_47 = vector.shape_cast %broadcast_in_dim3A_38 : vector<16xf32> to vector<1x16xf32>
      tpu.vector_store %arg9[%swap3A_43, %swap3A_44], %swap3A_47 {strides = array<i32>} : memref<128x64xf32, #tpu.memory_space<vmem>>, vector<1x16xf32>,
      %swap3A_48 = arith.index_cast %scan3A_37 : i32 to index
      %swap3A_49 = arith.constant 32 : index
      %swap3A_50 = tpu.vector_load %arg9[%swap3A_48, %swap3A_49] {strides = array<i32>} : memref<128x64xf32, #tpu.memory_space<vmem>>, vector<1x16xf32>,
      %swap3A_51 = vector.shape_cast %swap3A_50 : vector<1x16xf32> to vector<16xf32>
      %swap3A_52 = vector.shape_cast %broadcast_in_dim3A_38 : vector<16xf32> to vector<1x16xf32>
      tpu.vector_store %arg9[%swap3A_48, %swap3A_49], %swap3A_52 {strides = array<i32>} : memref<128x64xf32, #tpu.memory_space<vmem>>, vector<1x16xf32>,
      %swap3A_53 = arith.index_cast %scan3A_37 : i32 to index
      %swap3A_54 = arith.constant 48 : index
      %swap3A_55 = tpu.vector_load %arg9[%swap3A_53, %swap3A_54] {strides = array<i32>} : memref<128x64xf32, #tpu.memory_space<vmem>>, vector<1x16xf32>,
      %swap3A_56 = vector.shape_cast %swap3A_55 : vector<1x16xf32> to vector<16xf32>
      %swap3A_57 = vector.shape_cast %broadcast_in_dim3A_38 : vector<16xf32> to vector<1x16xf32>
      tpu.vector_store %arg9[%swap3A_53, %swap3A_54], %swap3A_57 {strides = array<i32>} : memref<128x64xf32, #tpu.memory_space<vmem>>, vector<1x16xf32>,
    }
    %scan3A_5 = arith.constant 128 : i32
    %mul3A_6 = arith.constant 640 : i32
    %mul3A_7 = arith.muli %arg1, %mul3A_6 : i32
    %add3A_8 = arith.constant 0 : i32
    %add3A_9 = arith.addi %mul3A_7, %add3A_8 : i32
    "tpu.region"() ({
      %run_scoped3A = tpu.sem_alloc : memref<!tpu.dma_semaphore, #tpu.memory_space<semaphore_mem>>
      %dma_start3A = arith.constant 0 : i32
      %dma_start3A_37 = tpu.memref_slice %arg10[%add3A_9, %dma_start3A] : memref<10240x64xf32, #tpu.memory_space<vmem_shared>> -> memref<128x64xf32, #tpu.memory_space<vmem_shared>>
      %dma_start3A_38 = arith.constant 0 : i32
      %dma_start3A_39 = tpu.memref_slice %arg10[%add3A_9, %dma_start3A_38] : memref<10240x64xf32, #tpu.memory_space<vmem_shared>> -> memref<128x64xf32, #tpu.memory_space<vmem_shared>>
      tpu.enqueue_dma source(%arg9 : memref<128x64xf32, #tpu.memory_space<vmem>>) target(%dma_start3A_39 : memref<128x64xf32, #tpu.memory_space<vmem_shared>>) target_semaphore(%run_scoped3A : memref<!tpu.dma_semaphore, #tpu.memory_space<semaphore_mem>>)
      %dma_wait3A = arith.constant 0 : i32
      %dma_wait3A_40 = tpu.memref_slice %arg10[%add3A_9, %dma_wait3A] : memref<10240x64xf32, #tpu.memory_space<vmem_shared>> -> memref<128x64xf32, #tpu.memory_space<vmem_shared>>
      %dma_wait3A_41 = arith.constant 0 : i32
      %dma_wait3A_42 = tpu.memref_slice %arg10[%add3A_9, %dma_wait3A_41] : memref<10240x64xf32, #tpu.memory_space<vmem_shared>> -> memref<128x64xf32, #tpu.memory_space<vmem_shared>>
      tpu.wait_dma2 semaphore(%run_scoped3A : memref<!tpu.dma_semaphore, #tpu.memory_space<semaphore_mem>>) src(%arg9 : memref<128x64xf32, #tpu.memory_space<vmem>>) dst(%dma_wait3A_42 : memref<128x64xf32, #tpu.memory_space<vmem_shared>>)
      tpu.yield
    }) : () -> ()
    %mul3A_10 = arith.constant 640 : i32
    %mul3A_11 = arith.muli %arg1, %mul3A_10 : i32
    %add3A_12 = arith.constant 128 : i32
    %add3A_13 = arith.addi %mul3A_11, %add3A_12 : i32
    "tpu.region"() ({
      %run_scoped3A = tpu.sem_alloc : memref<!tpu.dma_semaphore, #tpu.memory_space<semaphore_mem>>
      %dma_start3A = arith.constant 0 : i32
      %dma_start3A_37 = tpu.memref_slice %arg10[%add3A_13, %dma_start3A] : memref<10240x64xf32, #tpu.memory_space<vmem_shared>> -> memref<128x64xf32, #tpu.memory_space<vmem_shared>>
      %dma_start3A_38 = arith.constant 0 : i32
      %dma_start3A_39 = tpu.memref_slice %arg10[%add3A_13, %dma_start3A_38] : memref<10240x64xf32, #tpu.memory_space<vmem_shared>> -> memref<128x64xf32, #tpu.memory_space<vmem_shared>>
      tpu.enqueue_dma source(%arg9 : memref<128x64xf32, #tpu.memory_space<vmem>>) target(%dma_start3A_39 : memref<128x64xf32, #tpu.memory_space<vmem_shared>>) target_semaphore(%run_scoped3A : memref<!tpu.dma_semaphore, #tpu.memory_space<semaphore_mem>>)
      %dma_wait3A = arith.constant 0 : i32
      %dma_wait3A_40 = tpu.memref_slice %arg10[%add3A_13, %dma_wait3A] : memref<10240x64xf32, #tpu.memory_space<vmem_shared>> -> memref<128x64xf32, #tpu.memory_space<vmem_shared>>
      %dma_wait3A_41 = arith.constant 0 : i32
      %dma_wait3A_42 = tpu.memref_slice %arg10[%add3A_13, %dma_wait3A_41] : memref<10240x64xf32, #tpu.memory_space<vmem_shared>> -> memref<128x64xf32, #tpu.memory_space<vmem_shared>>
      tpu.wait_dma2 semaphore(%run_scoped3A : memref<!tpu.dma_semaphore, #tpu.memory_space<semaphore_mem>>) src(%arg9 : memref<128x64xf32, #tpu.memory_space<vmem>>) dst(%dma_wait3A_42 : memref<128x64xf32, #tpu.memory_space<vmem_shared>>)
      tpu.yield
    }) : () -> ()
    %mul3A_14 = arith.constant 640 : i32
    %mul3A_15 = arith.muli %arg1, %mul3A_14 : i32
    %add3A_16 = arith.constant 256 : i32
    %add3A_17 = arith.addi %mul3A_15, %add3A_16 : i32
    "tpu.region"() ({
      %run_scoped3A = tpu.sem_alloc : memref<!tpu.dma_semaphore, #tpu.memory_space<semaphore_mem>>
      %dma_start3A = arith.constant 0 : i32
      %dma_start3A_37 = tpu.memref_slice %arg10[%add3A_17, %dma_start3A] : memref<10240x64xf32, #tpu.memory_space<vmem_shared>> -> memref<128x64xf32, #tpu.memory_space<vmem_shared>>
      %dma_start3A_38 = arith.constant 0 : i32
      %dma_start3A_39 = tpu.memref_slice %arg10[%add3A_17, %dma_start3A_38] : memref<10240x64xf32, #tpu.memory_space<vmem_shared>> -> memref<128x64xf32, #tpu.memory_space<vmem_shared>>
      tpu.enqueue_dma source(%arg9 : memref<128x64xf32, #tpu.memory_space<vmem>>) target(%dma_start3A_39 : memref<128x64xf32, #tpu.memory_space<vmem_shared>>) target_semaphore(%run_scoped3A : memref<!tpu.dma_semaphore, #tpu.memory_space<semaphore_mem>>)
      %dma_wait3A = arith.constant 0 : i32
      %dma_wait3A_40 = tpu.memref_slice %arg10[%add3A_17, %dma_wait3A] : memref<10240x64xf32, #tpu.memory_space<vmem_shared>> -> memref<128x64xf32, #tpu.memory_space<vmem_shared>>
      %dma_wait3A_41 = arith.constant 0 : i32
      %dma_wait3A_42 = tpu.memref_slice %arg10[%add3A_17, %dma_wait3A_41] : memref<10240x64xf32, #tpu.memory_space<vmem_shared>> -> memref<128x64xf32, #tpu.memory_space<vmem_shared>>
      tpu.wait_dma2 semaphore(%run_scoped3A : memref<!tpu.dma_semaphore, #tpu.memory_space<semaphore_mem>>) src(%arg9 : memref<128x64xf32, #tpu.memory_space<vmem>>) dst(%dma_wait3A_42 : memref<128x64xf32, #tpu.memory_space<vmem_shared>>)
      tpu.yield
    }) : () -> ()
    %mul3A_18 = arith.constant 640 : i32
    %mul3A_19 = arith.muli %arg1, %mul3A_18 : i32
    %add3A_20 = arith.constant 384 : i32
    %add3A_21 = arith.addi %mul3A_19, %add3A_20 : i32
    "tpu.region"() ({
      %run_scoped3A = tpu.sem_alloc : memref<!tpu.dma_semaphore, #tpu.memory_space<semaphore_mem>>
      %dma_start3A = arith.constant 0 : i32
      %dma_start3A_37 = tpu.memref_slice %arg10[%add3A_21, %dma_start3A] : memref<10240x64xf32, #tpu.memory_space<vmem_shared>> -> memref<128x64xf32, #tpu.memory_space<vmem_shared>>
      %dma_start3A_38 = arith.constant 0 : i32
      %dma_start3A_39 = tpu.memref_slice %arg10[%add3A_21, %dma_start3A_38] : memref<10240x64xf32, #tpu.memory_space<vmem_shared>> -> memref<128x64xf32, #tpu.memory_space<vmem_shared>>
      tpu.enqueue_dma source(%arg9 : memref<128x64xf32, #tpu.memory_space<vmem>>) target(%dma_start3A_39 : memref<128x64xf32, #tpu.memory_space<vmem_shared>>) target_semaphore(%run_scoped3A : memref<!tpu.dma_semaphore, #tpu.memory_space<semaphore_mem>>)
      %dma_wait3A = arith.constant 0 : i32
      %dma_wait3A_40 = tpu.memref_slice %arg10[%add3A_21, %dma_wait3A] : memref<10240x64xf32, #tpu.memory_space<vmem_shared>> -> memref<128x64xf32, #tpu.memory_space<vmem_shared>>
      %dma_wait3A_41 = arith.constant 0 : i32
      %dma_wait3A_42 = tpu.memref_slice %arg10[%add3A_21, %dma_wait3A_41] : memref<10240x64xf32, #tpu.memory_space<vmem_shared>> -> memref<128x64xf32, #tpu.memory_space<vmem_shared>>
      tpu.wait_dma2 semaphore(%run_scoped3A : memref<!tpu.dma_semaphore, #tpu.memory_space<semaphore_mem>>) src(%arg9 : memref<128x64xf32, #tpu.memory_space<vmem>>) dst(%dma_wait3A_42 : memref<128x64xf32, #tpu.memory_space<vmem_shared>>)
      tpu.yield
    }) : () -> ()
    %mul3A_22 = arith.constant 640 : i32
    %mul3A_23 = arith.muli %arg1, %mul3A_22 : i32
    %add3A_24 = arith.constant 512 : i32
    %add3A_25 = arith.addi %mul3A_23, %add3A_24 : i32
    "tpu.region"() ({
      %run_scoped3A = tpu.sem_alloc : memref<!tpu.dma_semaphore, #tpu.memory_space<semaphore_mem>>
      %dma_start3A = arith.constant 0 : i32
      %dma_start3A_37 = tpu.memref_slice %arg10[%add3A_25, %dma_start3A] : memref<10240x64xf32, #tpu.memory_space<vmem_shared>> -> memref<128x64xf32, #tpu.memory_space<vmem_shared>>
      %dma_start3A_38 = arith.constant 0 : i32
      %dma_start3A_39 = tpu.memref_slice %arg10[%add3A_25, %dma_start3A_38] : memref<10240x64xf32, #tpu.memory_space<vmem_shared>> -> memref<128x64xf32, #tpu.memory_space<vmem_shared>>
      tpu.enqueue_dma source(%arg9 : memref<128x64xf32, #tpu.memory_space<vmem>>) target(%dma_start3A_39 : memref<128x64xf32, #tpu.memory_space<vmem_shared>>) target_semaphore(%run_scoped3A : memref<!tpu.dma_semaphore, #tpu.memory_space<semaphore_mem>>)
      %dma_wait3A = arith.constant 0 : i32
      %dma_wait3A_40 = tpu.memref_slice %arg10[%add3A_25, %dma_wait3A] : memref<10240x64xf32, #tpu.memory_space<vmem_shared>> -> memref<128x64xf32, #tpu.memory_space<vmem_shared>>
      %dma_wait3A_41 = arith.constant 0 : i32
      %dma_wait3A_42 = tpu.memref_slice %arg10[%add3A_25, %dma_wait3A_41] : memref<10240x64xf32, #tpu.memory_space<vmem_shared>> -> memref<128x64xf32, #tpu.memory_space<vmem_shared>>
      tpu.wait_dma2 semaphore(%run_scoped3A : memref<!tpu.dma_semaphore, #tpu.memory_space<semaphore_mem>>) src(%arg9 : memref<128x64xf32, #tpu.memory_space<vmem>>) dst(%dma_wait3A_42 : memref<128x64xf32, #tpu.memory_space<vmem_shared>>)
      tpu.yield
    }) : () -> ()
    %barrier3A = arith.constant 0 : index
    tpu.barrier barrier_id(%barrier3A)
    %scan3A_26 = arith.constant 0 : i32
    %scan3A_27 = arith.constant 0 : i32
    %scan3A_28 = arith.constant 79 : i32
    %scan3A_29 = arith.addi %scan3A_27, %scan3A_28 : i32
    %scan3A_30 = arith.constant 1 : i32
    scf.for %scan3A_37 = %scan3A_27 to %scan3A_29 step %scan3A_30  : i32 {
      %mul3A_38 = arith.constant 10112 : i32
      %mul3A_39 = arith.muli %add3A, %mul3A_38 : i32
      %mul3A_40 = arith.constant 128 : i32
      %mul3A_41 = arith.muli %scan3A_37, %mul3A_40 : i32
      %add3A_42 = arith.addi %mul3A_39, %mul3A_41 : i32
      "tpu.region"() ({
        %run_scoped3A = tpu.sem_alloc : memref<!tpu.dma_semaphore, #tpu.memory_space<semaphore_mem>>
        %dma_start3A_47 = tpu.memref_slice %arg2[%add3A_42] : memref<323584xi32, #tpu.memory_space<hbm>> -> memref<128xi32, #tpu.memory_space<hbm>>
        %dma_start3A_48 = tpu.memref_slice %arg2[%add3A_42] : memref<323584xi32, #tpu.memory_space<hbm>> -> memref<128xi32, #tpu.memory_space<hbm>>
        tpu.enqueue_dma source(%dma_start3A_48 : memref<128xi32, #tpu.memory_space<hbm>>) target(%arg6 : memref<128xi32, #tpu.memory_space<vmem>>) target_semaphore(%run_scoped3A : memref<!tpu.dma_semaphore, #tpu.memory_space<semaphore_mem>>)
        %dma_wait3A_49 = tpu.memref_slice %arg2[%add3A_42] : memref<323584xi32, #tpu.memory_space<hbm>> -> memref<128xi32, #tpu.memory_space<hbm>>
        %dma_wait3A_50 = tpu.memref_slice %arg2[%add3A_42] : memref<323584xi32, #tpu.memory_space<hbm>> -> memref<128xi32, #tpu.memory_space<hbm>>
        tpu.wait_dma2 semaphore(%run_scoped3A : memref<!tpu.dma_semaphore, #tpu.memory_space<semaphore_mem>>) src(%dma_wait3A_50 : memref<128xi32, #tpu.memory_space<hbm>>) dst(%arg6 : memref<128xi32, #tpu.memory_space<vmem>>)
        tpu.yield
      }) : () -> ()
      "tpu.region"() ({
        %run_scoped3A = tpu.sem_alloc : memref<!tpu.dma_semaphore, #tpu.memory_space<semaphore_mem>>
        %dma_start3A_47 = tpu.memref_slice %arg3[%add3A_42] : memref<323584xi32, #tpu.memory_space<hbm>> -> memref<128xi32, #tpu.memory_space<hbm>>
        %dma_start3A_48 = tpu.memref_slice %arg3[%add3A_42] : memref<323584xi32, #tpu.memory_space<hbm>> -> memref<128xi32, #tpu.memory_space<hbm>>
        tpu.enqueue_dma source(%dma_start3A_48 : memref<128xi32, #tpu.memory_space<hbm>>) target(%arg7 : memref<128xi32, #tpu.memory_space<vmem>>) target_semaphore(%run_scoped3A : memref<!tpu.dma_semaphore, #tpu.memory_space<semaphore_mem>>)
        %dma_wait3A_49 = tpu.memref_slice %arg3[%add3A_42] : memref<323584xi32, #tpu.memory_space<hbm>> -> memref<128xi32, #tpu.memory_space<hbm>>
        %dma_wait3A_50 = tpu.memref_slice %arg3[%add3A_42] : memref<323584xi32, #tpu.memory_space<hbm>> -> memref<128xi32, #tpu.memory_space<hbm>>
        tpu.wait_dma2 semaphore(%run_scoped3A : memref<!tpu.dma_semaphore, #tpu.memory_space<semaphore_mem>>) src(%dma_wait3A_50 : memref<128xi32, #tpu.memory_space<hbm>>) dst(%arg7 : memref<128xi32, #tpu.memory_space<vmem>>)
        tpu.yield
      }) : () -> ()
      %dma_start3A = arith.constant 0 : i32
      %dma_start3A_43 = arith.constant 0 : i32
      %dma_start3A_44 = tpu.memref_slice %arg4[%dma_start3A, %dma_start3A_43] : memref<10240x64xf32, #tpu.memory_space<hbm>> -> memref<10240x64xf32, #tpu.memory_space<hbm>>
      tpu.enqueue_indirect_dma source(%dma_start3A_44 : memref<10240x64xf32, #tpu.memory_space<hbm>>) target(%arg8 : memref<128x64xf32, #tpu.memory_space<vmem>>) offsets(%arg6 : memref<128xi32, #tpu.memory_space<vmem>>) semaphore(%arg11 : memref<!tpu.dma_semaphore, #tpu.memory_space<semaphore_mem>>)
      %dma_wait3A = arith.constant 0 : i32
      %dma_wait3A_45 = arith.constant 0 : i32
      %dma_wait3A_46 = tpu.memref_slice %arg4[%dma_wait3A, %dma_wait3A_45] : memref<10240x64xf32, #tpu.memory_space<hbm>> -> memref<10240x64xf32, #tpu.memory_space<hbm>>
      tpu.wait_indirect_dma semaphore(%arg11 : memref<!tpu.dma_semaphore, #tpu.memory_space<semaphore_mem>>) src(%dma_wait3A_46 : memref<10240x64xf32, #tpu.memory_space<hbm>>) dst(%arg8 : memref<128x64xf32, #tpu.memory_space<vmem>>)
      "tpu.region"() ({
        %run_scoped3A = tpu.sem_alloc : memref<!tpu.dma_semaphore, #tpu.memory_space<semaphore_mem>>
        %dma_start3A_47 = arith.constant 0 : i32
        %dma_start3A_48 = arith.constant 0 : i32
        %dma_start3A_49 = tpu.memref_slice %arg10[%dma_start3A_47, %dma_start3A_48] : memref<10240x64xf32, #tpu.memory_space<vmem_shared>> -> memref<10240x64xf32, #tpu.memory_space<vmem_shared>>
        tpu.enqueue_indirect_dma source(%arg8 : memref<128x64xf32, #tpu.memory_space<vmem>>) target(%dma_start3A_49 : memref<10240x64xf32, #tpu.memory_space<vmem_shared>>) offsets(%arg7 : memref<128xi32, #tpu.memory_space<vmem>>) semaphore(%run_scoped3A : memref<!tpu.dma_semaphore, #tpu.memory_space<semaphore_mem>>) {add = true}
        %dma_wait3A_50 = arith.constant 0 : i32
        %dma_wait3A_51 = arith.constant 0 : i32
        %dma_wait3A_52 = tpu.memref_slice %arg10[%dma_wait3A_50, %dma_wait3A_51] : memref<10240x64xf32, #tpu.memory_space<vmem_shared>> -> memref<10240x64xf32, #tpu.memory_space<vmem_shared>>
        tpu.wait_indirect_dma semaphore(%run_scoped3A : memref<!tpu.dma_semaphore, #tpu.memory_space<semaphore_mem>>) src(%arg8 : memref<128x64xf32, #tpu.memory_space<vmem>>) dst(%dma_wait3A_52 : memref<10240x64xf32, #tpu.memory_space<vmem_shared>>)
        tpu.yield
      }) : () -> ()
    }
    %scan3A_31 = arith.constant 79 : i32
    %barrier3A_32 = arith.constant 0 : index
    tpu.barrier barrier_id(%barrier3A_32)
    %mul3A_33 = arith.constant 640 : i32
    %mul3A_34 = arith.muli %arg1, %mul3A_33 : i32
    %mul3A_35 = arith.constant 640 : i32
    %mul3A_36 = arith.muli %arg1, %mul3A_35 : i32
    "tpu.region"() ({
      %run_scoped3A = tpu.sem_alloc : memref<!tpu.dma_semaphore, #tpu.memory_space<semaphore_mem>>
      %dma_start3A = arith.constant 0 : i32
      %dma_start3A_37 = arith.constant 0 : i32
      %dma_start3A_38 = tpu.memref_slice %arg5[%arg0, %dma_start3A, %dma_start3A_37] : memref<2x10240x64xf32, #tpu.memory_space<hbm>> -> memref<1x10240x64xf32, #tpu.memory_space<hbm>>
      %dma_start3A_39 = tpu.memref_squeeze %dma_start3A_38 : memref<1x10240x64xf32, #tpu.memory_space<hbm>> -> memref<10240x64xf32, #tpu.memory_space<hbm>>
      %dma_start3A_40 = arith.constant 0 : i32
      %dma_start3A_41 = tpu.memref_slice %dma_start3A_39[%mul3A_36, %dma_start3A_40] : memref<10240x64xf32, #tpu.memory_space<hbm>> -> memref<640x64xf32, #tpu.memory_space<hbm>>
      %dma_start3A_42 = arith.constant 0 : i32
      %dma_start3A_43 = tpu.memref_slice %arg10[%mul3A_34, %dma_start3A_42] : memref<10240x64xf32, #tpu.memory_space<vmem_shared>> -> memref<640x64xf32, #tpu.memory_space<vmem_shared>>
      tpu.enqueue_dma source(%dma_start3A_43 : memref<640x64xf32, #tpu.memory_space<vmem_shared>>) target(%dma_start3A_41 : memref<640x64xf32, #tpu.memory_space<hbm>>) target_semaphore(%run_scoped3A : memref<!tpu.dma_semaphore, #tpu.memory_space<semaphore_mem>>)
      %dma_wait3A = arith.constant 0 : i32
      %dma_wait3A_44 = arith.constant 0 : i32
      %dma_wait3A_45 = tpu.memref_slice %arg5[%arg0, %dma_wait3A, %dma_wait3A_44] : memref<2x10240x64xf32, #tpu.memory_space<hbm>> -> memref<1x10240x64xf32, #tpu.memory_space<hbm>>
      %dma_wait3A_46 = tpu.memref_squeeze %dma_wait3A_45 : memref<1x10240x64xf32, #tpu.memory_space<hbm>> -> memref<10240x64xf32, #tpu.memory_space<hbm>>
      %dma_wait3A_47 = arith.constant 0 : i32
      %dma_wait3A_48 = tpu.memref_slice %dma_wait3A_46[%mul3A_36, %dma_wait3A_47] : memref<10240x64xf32, #tpu.memory_space<hbm>> -> memref<640x64xf32, #tpu.memory_space<hbm>>
      %dma_wait3A_49 = arith.constant 0 : i32
      %dma_wait3A_50 = tpu.memref_slice %arg10[%mul3A_34, %dma_wait3A_49] : memref<10240x64xf32, #tpu.memory_space<vmem_shared>> -> memref<640x64xf32, #tpu.memory_space<vmem_shared>>
      tpu.wait_dma2 semaphore(%run_scoped3A : memref<!tpu.dma_semaphore, #tpu.memory_space<semaphore_mem>>) src(%dma_wait3A_50 : memref<640x64xf32, #tpu.memory_space<vmem_shared>>) dst(%dma_wait3A_48 : memref<640x64xf32, #tpu.memory_space<hbm>>)
      tpu.yield
    }) : () -> ()
    return
  }
}

#map = affine_map<(d0, d1) -> (0, 0, 0)>
module attributes {stable_mosaic.version = 14 : i64} {
  func.func @_deg_body(%arg0: i32, %arg1: i32, %arg2: memref<32x80x128xi32, #tpu.memory_space<hbm>>, %arg3: memref<2x10240x16xf32, #tpu.memory_space<hbm>>, %arg4: memref<80x128xi32, #tpu.memory_space<vmem>>, %arg5: memref<128x16xf32, #tpu.memory_space<vmem>>, %arg6: memref<128x16xf32, #tpu.memory_space<vmem>>, %arg7: memref<10240x16xf32, #tpu.memory_space<vmem_shared>>, %arg8: memref<4x!tpu.dma_semaphore, #tpu.memory_space<semaphore_mem>>) attributes {dimension_semantics = [#tpu.dimension_semantics<core_parallel>, #tpu.dimension_semantics<subcore_parallel>], iteration_bounds = array<i64: 2, 16>, scalar_prefetch = 0 : i64, scratch_operands = 5 : i64, tpu.core_type = #tpu.core_type<sc_vector_subcore>, window_params = [{transform_indices = #map}, {transform_indices = #map}]} {
    %mul3A = arith.constant 2 : i32
    %mul3A_0 = arith.muli %arg1, %mul3A : i32
    %add3A = arith.addi %mul3A_0, %arg0 : i32
    "tpu.region"() ({
      %run_scoped3A = tpu.sem_alloc : memref<!tpu.dma_semaphore, #tpu.memory_space<semaphore_mem>>
      %dma_start3A = arith.constant 0 : i32
      %dma_start3A_76 = arith.constant 0 : i32
      %dma_start3A_77 = tpu.memref_slice %arg2[%add3A, %dma_start3A, %dma_start3A_76] : memref<32x80x128xi32, #tpu.memory_space<hbm>> -> memref<1x80x128xi32, #tpu.memory_space<hbm>>
      %dma_start3A_78 = tpu.memref_squeeze %dma_start3A_77 : memref<1x80x128xi32, #tpu.memory_space<hbm>> -> memref<80x128xi32, #tpu.memory_space<hbm>>
      %dma_start3A_79 = arith.constant 0 : i32
      %dma_start3A_80 = arith.constant 0 : i32
      %dma_start3A_81 = tpu.memref_slice %arg2[%add3A, %dma_start3A_79, %dma_start3A_80] : memref<32x80x128xi32, #tpu.memory_space<hbm>> -> memref<1x80x128xi32, #tpu.memory_space<hbm>>
      %dma_start3A_82 = tpu.memref_squeeze %dma_start3A_81 : memref<1x80x128xi32, #tpu.memory_space<hbm>> -> memref<80x128xi32, #tpu.memory_space<hbm>>
      tpu.enqueue_dma source(%dma_start3A_82 : memref<80x128xi32, #tpu.memory_space<hbm>>) target(%arg4 : memref<80x128xi32, #tpu.memory_space<vmem>>) target_semaphore(%run_scoped3A : memref<!tpu.dma_semaphore, #tpu.memory_space<semaphore_mem>>)
      %dma_wait3A_83 = arith.constant 0 : i32
      %dma_wait3A_84 = arith.constant 0 : i32
      %dma_wait3A_85 = tpu.memref_slice %arg2[%add3A, %dma_wait3A_83, %dma_wait3A_84] : memref<32x80x128xi32, #tpu.memory_space<hbm>> -> memref<1x80x128xi32, #tpu.memory_space<hbm>>
      %dma_wait3A_86 = tpu.memref_squeeze %dma_wait3A_85 : memref<1x80x128xi32, #tpu.memory_space<hbm>> -> memref<80x128xi32, #tpu.memory_space<hbm>>
      %dma_wait3A_87 = arith.constant 0 : i32
      %dma_wait3A_88 = arith.constant 0 : i32
      %dma_wait3A_89 = tpu.memref_slice %arg2[%add3A, %dma_wait3A_87, %dma_wait3A_88] : memref<32x80x128xi32, #tpu.memory_space<hbm>> -> memref<1x80x128xi32, #tpu.memory_space<hbm>>
      %dma_wait3A_90 = tpu.memref_squeeze %dma_wait3A_89 : memref<1x80x128xi32, #tpu.memory_space<hbm>> -> memref<80x128xi32, #tpu.memory_space<hbm>>
      tpu.wait_dma2 semaphore(%run_scoped3A : memref<!tpu.dma_semaphore, #tpu.memory_space<semaphore_mem>>) src(%dma_wait3A_90 : memref<80x128xi32, #tpu.memory_space<hbm>>) dst(%arg4 : memref<80x128xi32, #tpu.memory_space<vmem>>)
      tpu.yield
    }) : () -> ()
    %scan3A = arith.constant 0 : i32
    %scan3A_1 = arith.constant 0 : i32
    %scan3A_2 = arith.constant 128 : i32
    %scan3A_3 = arith.addi %scan3A_1, %scan3A_2 : i32
    %scan3A_4 = arith.constant 1 : i32
    scf.for %scan3A_76 = %scan3A_1 to %scan3A_3 step %scan3A_4  : i32 {
      %broadcast_in_dim3A = arith.constant 1.000000e+00 : f32
      %broadcast_in_dim3A_77 = vector.broadcast %broadcast_in_dim3A : f32 to vector<16xf32>
      %swap3A = arith.index_cast %scan3A_76 : i32 to index
      %swap3A_78 = arith.constant 0 : index
      %swap3A_79 = tpu.vector_load %arg5[%swap3A, %swap3A_78] {strides = array<i32>} : memref<128x16xf32, #tpu.memory_space<vmem>>, vector<1x16xf32>,
      %swap3A_80 = vector.shape_cast %swap3A_79 : vector<1x16xf32> to vector<16xf32>
      %swap3A_81 = vector.shape_cast %broadcast_in_dim3A_77 : vector<16xf32> to vector<1x16xf32>
      tpu.vector_store %arg5[%swap3A, %swap3A_78], %swap3A_81 {strides = array<i32>} : memref<128x16xf32, #tpu.memory_space<vmem>>, vector<1x16xf32>,
      %broadcast_in_dim3A_82 = arith.constant 0.000000e+00 : f32
      %broadcast_in_dim3A_83 = vector.broadcast %broadcast_in_dim3A_82 : f32 to vector<16xf32>
      %swap3A_84 = arith.index_cast %scan3A_76 : i32 to index
      %swap3A_85 = arith.constant 0 : index
      %swap3A_86 = tpu.vector_load %arg6[%swap3A_84, %swap3A_85] {strides = array<i32>} : memref<128x16xf32, #tpu.memory_space<vmem>>, vector<1x16xf32>,
      %swap3A_87 = vector.shape_cast %swap3A_86 : vector<1x16xf32> to vector<16xf32>
      %swap3A_88 = vector.shape_cast %broadcast_in_dim3A_83 : vector<16xf32> to vector<1x16xf32>
      tpu.vector_store %arg6[%swap3A_84, %swap3A_85], %swap3A_88 {strides = array<i32>} : memref<128x16xf32, #tpu.memory_space<vmem>>, vector<1x16xf32>,
    }
    %scan3A_5 = arith.constant 128 : i32
    %mul3A_6 = arith.constant 640 : i32
    %mul3A_7 = arith.muli %arg1, %mul3A_6 : i32
    %add3A_8 = arith.constant 0 : i32
    %add3A_9 = arith.addi %mul3A_7, %add3A_8 : i32
    "tpu.region"() ({
      %run_scoped3A = tpu.sem_alloc : memref<!tpu.dma_semaphore, #tpu.memory_space<semaphore_mem>>
      %dma_start3A = arith.constant 0 : i32
      %dma_start3A_76 = tpu.memref_slice %arg7[%add3A_9, %dma_start3A] : memref<10240x16xf32, #tpu.memory_space<vmem_shared>> -> memref<128x16xf32, #tpu.memory_space<vmem_shared>>
      %dma_start3A_77 = arith.constant 0 : i32
      %dma_start3A_78 = tpu.memref_slice %arg7[%add3A_9, %dma_start3A_77] : memref<10240x16xf32, #tpu.memory_space<vmem_shared>> -> memref<128x16xf32, #tpu.memory_space<vmem_shared>>
      tpu.enqueue_dma source(%arg6 : memref<128x16xf32, #tpu.memory_space<vmem>>) target(%dma_start3A_78 : memref<128x16xf32, #tpu.memory_space<vmem_shared>>) target_semaphore(%run_scoped3A : memref<!tpu.dma_semaphore, #tpu.memory_space<semaphore_mem>>)
      %dma_wait3A_79 = arith.constant 0 : i32
      %dma_wait3A_80 = tpu.memref_slice %arg7[%add3A_9, %dma_wait3A_79] : memref<10240x16xf32, #tpu.memory_space<vmem_shared>> -> memref<128x16xf32, #tpu.memory_space<vmem_shared>>
      %dma_wait3A_81 = arith.constant 0 : i32
      %dma_wait3A_82 = tpu.memref_slice %arg7[%add3A_9, %dma_wait3A_81] : memref<10240x16xf32, #tpu.memory_space<vmem_shared>> -> memref<128x16xf32, #tpu.memory_space<vmem_shared>>
      tpu.wait_dma2 semaphore(%run_scoped3A : memref<!tpu.dma_semaphore, #tpu.memory_space<semaphore_mem>>) src(%arg6 : memref<128x16xf32, #tpu.memory_space<vmem>>) dst(%dma_wait3A_82 : memref<128x16xf32, #tpu.memory_space<vmem_shared>>)
      tpu.yield
    }) : () -> ()
    %mul3A_10 = arith.constant 640 : i32
    %mul3A_11 = arith.muli %arg1, %mul3A_10 : i32
    %add3A_12 = arith.constant 128 : i32
    %add3A_13 = arith.addi %mul3A_11, %add3A_12 : i32
    "tpu.region"() ({
      %run_scoped3A = tpu.sem_alloc : memref<!tpu.dma_semaphore, #tpu.memory_space<semaphore_mem>>
      %dma_start3A = arith.constant 0 : i32
      %dma_start3A_76 = tpu.memref_slice %arg7[%add3A_13, %dma_start3A] : memref<10240x16xf32, #tpu.memory_space<vmem_shared>> -> memref<128x16xf32, #tpu.memory_space<vmem_shared>>
      %dma_start3A_77 = arith.constant 0 : i32
      %dma_start3A_78 = tpu.memref_slice %arg7[%add3A_13, %dma_start3A_77] : memref<10240x16xf32, #tpu.memory_space<vmem_shared>> -> memref<128x16xf32, #tpu.memory_space<vmem_shared>>
      tpu.enqueue_dma source(%arg6 : memref<128x16xf32, #tpu.memory_space<vmem>>) target(%dma_start3A_78 : memref<128x16xf32, #tpu.memory_space<vmem_shared>>) target_semaphore(%run_scoped3A : memref<!tpu.dma_semaphore, #tpu.memory_space<semaphore_mem>>)
      %dma_wait3A_79 = arith.constant 0 : i32
      %dma_wait3A_80 = tpu.memref_slice %arg7[%add3A_13, %dma_wait3A_79] : memref<10240x16xf32, #tpu.memory_space<vmem_shared>> -> memref<128x16xf32, #tpu.memory_space<vmem_shared>>
      %dma_wait3A_81 = arith.constant 0 : i32
      %dma_wait3A_82 = tpu.memref_slice %arg7[%add3A_13, %dma_wait3A_81] : memref<10240x16xf32, #tpu.memory_space<vmem_shared>> -> memref<128x16xf32, #tpu.memory_space<vmem_shared>>
      tpu.wait_dma2 semaphore(%run_scoped3A : memref<!tpu.dma_semaphore, #tpu.memory_space<semaphore_mem>>) src(%arg6 : memref<128x16xf32, #tpu.memory_space<vmem>>) dst(%dma_wait3A_82 : memref<128x16xf32, #tpu.memory_space<vmem_shared>>)
      tpu.yield
    }) : () -> ()
    %mul3A_14 = arith.constant 640 : i32
    %mul3A_15 = arith.muli %arg1, %mul3A_14 : i32
    %add3A_16 = arith.constant 256 : i32
    %add3A_17 = arith.addi %mul3A_15, %add3A_16 : i32
    "tpu.region"() ({
      %run_scoped3A = tpu.sem_alloc : memref<!tpu.dma_semaphore, #tpu.memory_space<semaphore_mem>>
      %dma_start3A = arith.constant 0 : i32
      %dma_start3A_76 = tpu.memref_slice %arg7[%add3A_17, %dma_start3A] : memref<10240x16xf32, #tpu.memory_space<vmem_shared>> -> memref<128x16xf32, #tpu.memory_space<vmem_shared>>
      %dma_start3A_77 = arith.constant 0 : i32
      %dma_start3A_78 = tpu.memref_slice %arg7[%add3A_17, %dma_start3A_77] : memref<10240x16xf32, #tpu.memory_space<vmem_shared>> -> memref<128x16xf32, #tpu.memory_space<vmem_shared>>
      tpu.enqueue_dma source(%arg6 : memref<128x16xf32, #tpu.memory_space<vmem>>) target(%dma_start3A_78 : memref<128x16xf32, #tpu.memory_space<vmem_shared>>) target_semaphore(%run_scoped3A : memref<!tpu.dma_semaphore, #tpu.memory_space<semaphore_mem>>)
      %dma_wait3A_79 = arith.constant 0 : i32
      %dma_wait3A_80 = tpu.memref_slice %arg7[%add3A_17, %dma_wait3A_79] : memref<10240x16xf32, #tpu.memory_space<vmem_shared>> -> memref<128x16xf32, #tpu.memory_space<vmem_shared>>
      %dma_wait3A_81 = arith.constant 0 : i32
      %dma_wait3A_82 = tpu.memref_slice %arg7[%add3A_17, %dma_wait3A_81] : memref<10240x16xf32, #tpu.memory_space<vmem_shared>> -> memref<128x16xf32, #tpu.memory_space<vmem_shared>>
      tpu.wait_dma2 semaphore(%run_scoped3A : memref<!tpu.dma_semaphore, #tpu.memory_space<semaphore_mem>>) src(%arg6 : memref<128x16xf32, #tpu.memory_space<vmem>>) dst(%dma_wait3A_82 : memref<128x16xf32, #tpu.memory_space<vmem_shared>>)
      tpu.yield
    }) : () -> ()
    %mul3A_18 = arith.constant 640 : i32
    %mul3A_19 = arith.muli %arg1, %mul3A_18 : i32
    %add3A_20 = arith.constant 384 : i32
    %add3A_21 = arith.addi %mul3A_19, %add3A_20 : i32
    "tpu.region"() ({
      %run_scoped3A = tpu.sem_alloc : memref<!tpu.dma_semaphore, #tpu.memory_space<semaphore_mem>>
      %dma_start3A = arith.constant 0 : i32
      %dma_start3A_76 = tpu.memref_slice %arg7[%add3A_21, %dma_start3A] : memref<10240x16xf32, #tpu.memory_space<vmem_shared>> -> memref<128x16xf32, #tpu.memory_space<vmem_shared>>
      %dma_start3A_77 = arith.constant 0 : i32
      %dma_start3A_78 = tpu.memref_slice %arg7[%add3A_21, %dma_start3A_77] : memref<10240x16xf32, #tpu.memory_space<vmem_shared>> -> memref<128x16xf32, #tpu.memory_space<vmem_shared>>
      tpu.enqueue_dma source(%arg6 : memref<128x16xf32, #tpu.memory_space<vmem>>) target(%dma_start3A_78 : memref<128x16xf32, #tpu.memory_space<vmem_shared>>) target_semaphore(%run_scoped3A : memref<!tpu.dma_semaphore, #tpu.memory_space<semaphore_mem>>)
      %dma_wait3A_79 = arith.constant 0 : i32
      %dma_wait3A_80 = tpu.memref_slice %arg7[%add3A_21, %dma_wait3A_79] : memref<10240x16xf32, #tpu.memory_space<vmem_shared>> -> memref<128x16xf32, #tpu.memory_space<vmem_shared>>
      %dma_wait3A_81 = arith.constant 0 : i32
      %dma_wait3A_82 = tpu.memref_slice %arg7[%add3A_21, %dma_wait3A_81] : memref<10240x16xf32, #tpu.memory_space<vmem_shared>> -> memref<128x16xf32, #tpu.memory_space<vmem_shared>>
      tpu.wait_dma2 semaphore(%run_scoped3A : memref<!tpu.dma_semaphore, #tpu.memory_space<semaphore_mem>>) src(%arg6 : memref<128x16xf32, #tpu.memory_space<vmem>>) dst(%dma_wait3A_82 : memref<128x16xf32, #tpu.memory_space<vmem_shared>>)
      tpu.yield
    }) : () -> ()
    %mul3A_22 = arith.constant 640 : i32
    %mul3A_23 = arith.muli %arg1, %mul3A_22 : i32
    %add3A_24 = arith.constant 512 : i32
    %add3A_25 = arith.addi %mul3A_23, %add3A_24 : i32
    "tpu.region"() ({
      %run_scoped3A = tpu.sem_alloc : memref<!tpu.dma_semaphore, #tpu.memory_space<semaphore_mem>>
      %dma_start3A = arith.constant 0 : i32
      %dma_start3A_76 = tpu.memref_slice %arg7[%add3A_25, %dma_start3A] : memref<10240x16xf32, #tpu.memory_space<vmem_shared>> -> memref<128x16xf32, #tpu.memory_space<vmem_shared>>
      %dma_start3A_77 = arith.constant 0 : i32
      %dma_start3A_78 = tpu.memref_slice %arg7[%add3A_25, %dma_start3A_77] : memref<10240x16xf32, #tpu.memory_space<vmem_shared>> -> memref<128x16xf32, #tpu.memory_space<vmem_shared>>
      tpu.enqueue_dma source(%arg6 : memref<128x16xf32, #tpu.memory_space<vmem>>) target(%dma_start3A_78 : memref<128x16xf32, #tpu.memory_space<vmem_shared>>) target_semaphore(%run_scoped3A : memref<!tpu.dma_semaphore, #tpu.memory_space<semaphore_mem>>)
      %dma_wait3A_79 = arith.constant 0 : i32
      %dma_wait3A_80 = tpu.memref_slice %arg7[%add3A_25, %dma_wait3A_79] : memref<10240x16xf32, #tpu.memory_space<vmem_shared>> -> memref<128x16xf32, #tpu.memory_space<vmem_shared>>
      %dma_wait3A_81 = arith.constant 0 : i32
      %dma_wait3A_82 = tpu.memref_slice %arg7[%add3A_25, %dma_wait3A_81] : memref<10240x16xf32, #tpu.memory_space<vmem_shared>> -> memref<128x16xf32, #tpu.memory_space<vmem_shared>>
      tpu.wait_dma2 semaphore(%run_scoped3A : memref<!tpu.dma_semaphore, #tpu.memory_space<semaphore_mem>>) src(%arg6 : memref<128x16xf32, #tpu.memory_space<vmem>>) dst(%dma_wait3A_82 : memref<128x16xf32, #tpu.memory_space<vmem_shared>>)
      tpu.yield
    }) : () -> ()
    %barrier3A = arith.constant 0 : index
    tpu.barrier barrier_id(%barrier3A)
    %scan3A_26 = arith.constant 0 : i32
    %scan3A_27 = arith.constant 0 : i32
    %scan3A_28 = arith.constant 20 : i32
    %scan3A_29 = arith.addi %scan3A_27, %scan3A_28 : i32
    %scan3A_30 = arith.constant 1 : i32
    scf.for %scan3A_76 = %scan3A_27 to %scan3A_29 step %scan3A_30  : i32 {
      %gt3A = arith.constant 0 : i32
      %gt3A_77 = arith.cmpi sgt, %scan3A_76, %gt3A : i32
      %convert_element_type3A = arith.extui %gt3A_77 : i1 to i32
      %cond3A = arith.constant 0 : i32
      %cond3A_78 = arith.cmpi ne, %convert_element_type3A, %cond3A : i32
      scf.if %cond3A_78 {
        %sub3A = arith.constant 1 : i32
        %sub3A_145 = arith.subi %scan3A_76, %sub3A : i32
        %mul3A_146 = arith.constant 4 : i32
        %mul3A_147 = arith.muli %mul3A_146, %sub3A_145 : i32
        %add3A_148 = arith.constant 0 : i32
        %add3A_149 = arith.addi %mul3A_147, %add3A_148 : i32
        %dma_wait3A_150 = arith.constant 0 : i32
        %dma_wait3A_151 = arith.constant 0 : i32
        %dma_wait3A_152 = tpu.memref_slice %arg4[%add3A_149, %dma_wait3A_151] : memref<80x128xi32, #tpu.memory_space<vmem>> -> memref<1x128xi32, #tpu.memory_space<vmem>>
        %dma_wait3A_153 = tpu.memref_squeeze %dma_wait3A_152 : memref<1x128xi32, #tpu.memory_space<vmem>> -> memref<128xi32, #tpu.memory_space<vmem>>
        %dma_wait3A_154 = arith.constant 0 : i32
        %dma_wait3A_155 = arith.constant 0 : i32
        %dma_wait3A_156 = tpu.memref_slice %arg7[%dma_wait3A_154, %dma_wait3A_155] : memref<10240x16xf32, #tpu.memory_space<vmem_shared>> -> memref<10240x16xf32, #tpu.memory_space<vmem_shared>>
        %dma_wait3A_157 = tpu.memref_slice %arg8[%dma_wait3A_150] : memref<4x!tpu.dma_semaphore, #tpu.memory_space<semaphore_mem>> -> memref<1x!tpu.dma_semaphore, #tpu.memory_space<semaphore_mem>>
        %dma_wait3A_158 = tpu.memref_squeeze %dma_wait3A_157 : memref<1x!tpu.dma_semaphore, #tpu.memory_space<semaphore_mem>> -> memref<!tpu.dma_semaphore, #tpu.memory_space<semaphore_mem>>
        tpu.wait_indirect_dma semaphore(%dma_wait3A_158 : memref<!tpu.dma_semaphore, #tpu.memory_space<semaphore_mem>>) src(%arg5 : memref<128x16xf32, #tpu.memory_space<vmem>>) dst(%dma_wait3A_156 : memref<10240x16xf32, #tpu.memory_space<vmem_shared>>)
      } else {
      }
      %mul3A_79 = arith.constant 4 : i32
      %mul3A_80 = arith.muli %mul3A_79, %scan3A_76 : i32
      %add3A_81 = arith.constant 0 : i32
      %add3A_82 = arith.addi %mul3A_80, %add3A_81 : i32
      %dma_start3A = arith.constant 0 : i32
      %dma_start3A_83 = arith.constant 0 : i32
      %dma_start3A_84 = tpu.memref_slice %arg4[%add3A_82, %dma_start3A_83] : memref<80x128xi32, #tpu.memory_space<vmem>> -> memref<1x128xi32, #tpu.memory_space<vmem>>
      %dma_start3A_85 = tpu.memref_squeeze %dma_start3A_84 : memref<1x128xi32, #tpu.memory_space<vmem>> -> memref<128xi32, #tpu.memory_space<vmem>>
      %dma_start3A_86 = arith.constant 0 : i32
      %dma_start3A_87 = arith.constant 0 : i32
      %dma_start3A_88 = tpu.memref_slice %arg7[%dma_start3A_86, %dma_start3A_87] : memref<10240x16xf32, #tpu.memory_space<vmem_shared>> -> memref<10240x16xf32, #tpu.memory_space<vmem_shared>>
      %dma_start3A_89 = tpu.memref_slice %arg8[%dma_start3A] : memref<4x!tpu.dma_semaphore, #tpu.memory_space<semaphore_mem>> -> memref<1x!tpu.dma_semaphore, #tpu.memory_space<semaphore_mem>>
      %dma_start3A_90 = tpu.memref_squeeze %dma_start3A_89 : memref<1x!tpu.dma_semaphore, #tpu.memory_space<semaphore_mem>> -> memref<!tpu.dma_semaphore, #tpu.memory_space<semaphore_mem>>
      tpu.enqueue_indirect_dma source(%arg5 : memref<128x16xf32, #tpu.memory_space<vmem>>) target(%dma_start3A_88 : memref<10240x16xf32, #tpu.memory_space<vmem_shared>>) offsets(%dma_start3A_85 : memref<128xi32, #tpu.memory_space<vmem>>) semaphore(%dma_start3A_90 : memref<!tpu.dma_semaphore, #tpu.memory_space<semaphore_mem>>) {add = true}
      %gt3A_91 = arith.constant 0 : i32
      %gt3A_92 = arith.cmpi sgt, %scan3A_76, %gt3A_91 : i32
      %convert_element_type3A_93 = arith.extui %gt3A_92 : i1 to i32
      %cond3A_94 = arith.constant 0 : i32
      %cond3A_95 = arith.cmpi ne, %convert_element_type3A_93, %cond3A_94 : i32
      scf.if %cond3A_95 {
        %sub3A = arith.constant 1 : i32
        %sub3A_145 = arith.subi %scan3A_76, %sub3A : i32
        %mul3A_146 = arith.constant 4 : i32
        %mul3A_147 = arith.muli %mul3A_146, %sub3A_145 : i32
        %add3A_148 = arith.constant 1 : i32
        %add3A_149 = arith.addi %mul3A_147, %add3A_148 : i32
        %dma_wait3A_150 = arith.constant 1 : i32
        %dma_wait3A_151 = arith.constant 0 : i32
        %dma_wait3A_152 = tpu.memref_slice %arg4[%add3A_149, %dma_wait3A_151] : memref<80x128xi32, #tpu.memory_space<vmem>> -> memref<1x128xi32, #tpu.memory_space<vmem>>
        %dma_wait3A_153 = tpu.memref_squeeze %dma_wait3A_152 : memref<1x128xi32, #tpu.memory_space<vmem>> -> memref<128xi32, #tpu.memory_space<vmem>>
        %dma_wait3A_154 = arith.constant 0 : i32
        %dma_wait3A_155 = arith.constant 0 : i32
        %dma_wait3A_156 = tpu.memref_slice %arg7[%dma_wait3A_154, %dma_wait3A_155] : memref<10240x16xf32, #tpu.memory_space<vmem_shared>> -> memref<10240x16xf32, #tpu.memory_space<vmem_shared>>
        %dma_wait3A_157 = tpu.memref_slice %arg8[%dma_wait3A_150] : memref<4x!tpu.dma_semaphore, #tpu.memory_space<semaphore_mem>> -> memref<1x!tpu.dma_semaphore, #tpu.memory_space<semaphore_mem>>
        %dma_wait3A_158 = tpu.memref_squeeze %dma_wait3A_157 : memref<1x!tpu.dma_semaphore, #tpu.memory_space<semaphore_mem>> -> memref<!tpu.dma_semaphore, #tpu.memory_space<semaphore_mem>>
        tpu.wait_indirect_dma semaphore(%dma_wait3A_158 : memref<!tpu.dma_semaphore, #tpu.memory_space<semaphore_mem>>) src(%arg5 : memref<128x16xf32, #tpu.memory_space<vmem>>) dst(%dma_wait3A_156 : memref<10240x16xf32, #tpu.memory_space<vmem_shared>>)
      } else {
      }
      %mul3A_96 = arith.constant 4 : i32
      %mul3A_97 = arith.muli %mul3A_96, %scan3A_76 : i32
      %add3A_98 = arith.constant 1 : i32
      %add3A_99 = arith.addi %mul3A_97, %add3A_98 : i32
      %dma_start3A_100 = arith.constant 1 : i32
      %dma_start3A_101 = arith.constant 0 : i32
      %dma_start3A_102 = tpu.memref_slice %arg4[%add3A_99, %dma_start3A_101] : memref<80x128xi32, #tpu.memory_space<vmem>> -> memref<1x128xi32, #tpu.memory_space<vmem>>
      %dma_start3A_103 = tpu.memref_squeeze %dma_start3A_102 : memref<1x128xi32, #tpu.memory_space<vmem>> -> memref<128xi32, #tpu.memory_space<vmem>>
      %dma_start3A_104 = arith.constant 0 : i32
      %dma_start3A_105 = arith.constant 0 : i32
      %dma_start3A_106 = tpu.memref_slice %arg7[%dma_start3A_104, %dma_start3A_105] : memref<10240x16xf32, #tpu.memory_space<vmem_shared>> -> memref<10240x16xf32, #tpu.memory_space<vmem_shared>>
      %dma_start3A_107 = tpu.memref_slice %arg8[%dma_start3A_100] : memref<4x!tpu.dma_semaphore, #tpu.memory_space<semaphore_mem>> -> memref<1x!tpu.dma_semaphore, #tpu.memory_space<semaphore_mem>>
      %dma_start3A_108 = tpu.memref_squeeze %dma_start3A_107 : memref<1x!tpu.dma_semaphore, #tpu.memory_space<semaphore_mem>> -> memref<!tpu.dma_semaphore, #tpu.memory_space<semaphore_mem>>
      tpu.enqueue_indirect_dma source(%arg5 : memref<128x16xf32, #tpu.memory_space<vmem>>) target(%dma_start3A_106 : memref<10240x16xf32, #tpu.memory_space<vmem_shared>>) offsets(%dma_start3A_103 : memref<128xi32, #tpu.memory_space<vmem>>) semaphore(%dma_start3A_108 : memref<!tpu.dma_semaphore, #tpu.memory_space<semaphore_mem>>) {add = true}
      %gt3A_109 = arith.constant 0 : i32
      %gt3A_110 = arith.cmpi sgt, %scan3A_76, %gt3A_109 : i32
      %convert_element_type3A_111 = arith.extui %gt3A_110 : i1 to i32
      %cond3A_112 = arith.constant 0 : i32
      %cond3A_113 = arith.cmpi ne, %convert_element_type3A_111, %cond3A_112 : i32
      scf.if %cond3A_113 {
        %sub3A = arith.constant 1 : i32
        %sub3A_145 = arith.subi %scan3A_76, %sub3A : i32
        %mul3A_146 = arith.constant 4 : i32
        %mul3A_147 = arith.muli %mul3A_146, %sub3A_145 : i32
        %add3A_148 = arith.constant 2 : i32
        %add3A_149 = arith.addi %mul3A_147, %add3A_148 : i32
        %dma_wait3A_150 = arith.constant 2 : i32
        %dma_wait3A_151 = arith.constant 0 : i32
        %dma_wait3A_152 = tpu.memref_slice %arg4[%add3A_149, %dma_wait3A_151] : memref<80x128xi32, #tpu.memory_space<vmem>> -> memref<1x128xi32, #tpu.memory_space<vmem>>
        %dma_wait3A_153 = tpu.memref_squeeze %dma_wait3A_152 : memref<1x128xi32, #tpu.memory_space<vmem>> -> memref<128xi32, #tpu.memory_space<vmem>>
        %dma_wait3A_154 = arith.constant 0 : i32
        %dma_wait3A_155 = arith.constant 0 : i32
        %dma_wait3A_156 = tpu.memref_slice %arg7[%dma_wait3A_154, %dma_wait3A_155] : memref<10240x16xf32, #tpu.memory_space<vmem_shared>> -> memref<10240x16xf32, #tpu.memory_space<vmem_shared>>
        %dma_wait3A_157 = tpu.memref_slice %arg8[%dma_wait3A_150] : memref<4x!tpu.dma_semaphore, #tpu.memory_space<semaphore_mem>> -> memref<1x!tpu.dma_semaphore, #tpu.memory_space<semaphore_mem>>
        %dma_wait3A_158 = tpu.memref_squeeze %dma_wait3A_157 : memref<1x!tpu.dma_semaphore, #tpu.memory_space<semaphore_mem>> -> memref<!tpu.dma_semaphore, #tpu.memory_space<semaphore_mem>>
        tpu.wait_indirect_dma semaphore(%dma_wait3A_158 : memref<!tpu.dma_semaphore, #tpu.memory_space<semaphore_mem>>) src(%arg5 : memref<128x16xf32, #tpu.memory_space<vmem>>) dst(%dma_wait3A_156 : memref<10240x16xf32, #tpu.memory_space<vmem_shared>>)
      } else {
      }
      %mul3A_114 = arith.constant 4 : i32
      %mul3A_115 = arith.muli %mul3A_114, %scan3A_76 : i32
      %add3A_116 = arith.constant 2 : i32
      %add3A_117 = arith.addi %mul3A_115, %add3A_116 : i32
      %dma_start3A_118 = arith.constant 2 : i32
      %dma_start3A_119 = arith.constant 0 : i32
      %dma_start3A_120 = tpu.memref_slice %arg4[%add3A_117, %dma_start3A_119] : memref<80x128xi32, #tpu.memory_space<vmem>> -> memref<1x128xi32, #tpu.memory_space<vmem>>
      %dma_start3A_121 = tpu.memref_squeeze %dma_start3A_120 : memref<1x128xi32, #tpu.memory_space<vmem>> -> memref<128xi32, #tpu.memory_space<vmem>>
      %dma_start3A_122 = arith.constant 0 : i32
      %dma_start3A_123 = arith.constant 0 : i32
      %dma_start3A_124 = tpu.memref_slice %arg7[%dma_start3A_122, %dma_start3A_123] : memref<10240x16xf32, #tpu.memory_space<vmem_shared>> -> memref<10240x16xf32, #tpu.memory_space<vmem_shared>>
      %dma_start3A_125 = tpu.memref_slice %arg8[%dma_start3A_118] : memref<4x!tpu.dma_semaphore, #tpu.memory_space<semaphore_mem>> -> memref<1x!tpu.dma_semaphore, #tpu.memory_space<semaphore_mem>>
      %dma_start3A_126 = tpu.memref_squeeze %dma_start3A_125 : memref<1x!tpu.dma_semaphore, #tpu.memory_space<semaphore_mem>> -> memref<!tpu.dma_semaphore, #tpu.memory_space<semaphore_mem>>
      tpu.enqueue_indirect_dma source(%arg5 : memref<128x16xf32, #tpu.memory_space<vmem>>) target(%dma_start3A_124 : memref<10240x16xf32, #tpu.memory_space<vmem_shared>>) offsets(%dma_start3A_121 : memref<128xi32, #tpu.memory_space<vmem>>) semaphore(%dma_start3A_126 : memref<!tpu.dma_semaphore, #tpu.memory_space<semaphore_mem>>) {add = true}
      %gt3A_127 = arith.constant 0 : i32
      %gt3A_128 = arith.cmpi sgt, %scan3A_76, %gt3A_127 : i32
      %convert_element_type3A_129 = arith.extui %gt3A_128 : i1 to i32
      %cond3A_130 = arith.constant 0 : i32
      %cond3A_131 = arith.cmpi ne, %convert_element_type3A_129, %cond3A_130 : i32
      scf.if %cond3A_131 {
        %sub3A = arith.constant 1 : i32
        %sub3A_145 = arith.subi %scan3A_76, %sub3A : i32
        %mul3A_146 = arith.constant 4 : i32
        %mul3A_147 = arith.muli %mul3A_146, %sub3A_145 : i32
        %add3A_148 = arith.constant 3 : i32
        %add3A_149 = arith.addi %mul3A_147, %add3A_148 : i32
        %dma_wait3A_150 = arith.constant 3 : i32
        %dma_wait3A_151 = arith.constant 0 : i32
        %dma_wait3A_152 = tpu.memref_slice %arg4[%add3A_149, %dma_wait3A_151] : memref<80x128xi32, #tpu.memory_space<vmem>> -> memref<1x128xi32, #tpu.memory_space<vmem>>
        %dma_wait3A_153 = tpu.memref_squeeze %dma_wait3A_152 : memref<1x128xi32, #tpu.memory_space<vmem>> -> memref<128xi32, #tpu.memory_space<vmem>>
        %dma_wait3A_154 = arith.constant 0 : i32
        %dma_wait3A_155 = arith.constant 0 : i32
        %dma_wait3A_156 = tpu.memref_slice %arg7[%dma_wait3A_154, %dma_wait3A_155] : memref<10240x16xf32, #tpu.memory_space<vmem_shared>> -> memref<10240x16xf32, #tpu.memory_space<vmem_shared>>
        %dma_wait3A_157 = tpu.memref_slice %arg8[%dma_wait3A_150] : memref<4x!tpu.dma_semaphore, #tpu.memory_space<semaphore_mem>> -> memref<1x!tpu.dma_semaphore, #tpu.memory_space<semaphore_mem>>
        %dma_wait3A_158 = tpu.memref_squeeze %dma_wait3A_157 : memref<1x!tpu.dma_semaphore, #tpu.memory_space<semaphore_mem>> -> memref<!tpu.dma_semaphore, #tpu.memory_space<semaphore_mem>>
        tpu.wait_indirect_dma semaphore(%dma_wait3A_158 : memref<!tpu.dma_semaphore, #tpu.memory_space<semaphore_mem>>) src(%arg5 : memref<128x16xf32, #tpu.memory_space<vmem>>) dst(%dma_wait3A_156 : memref<10240x16xf32, #tpu.memory_space<vmem_shared>>)
      } else {
      }
      %mul3A_132 = arith.constant 4 : i32
      %mul3A_133 = arith.muli %mul3A_132, %scan3A_76 : i32
      %add3A_134 = arith.constant 3 : i32
      %add3A_135 = arith.addi %mul3A_133, %add3A_134 : i32
      %dma_start3A_136 = arith.constant 3 : i32
      %dma_start3A_137 = arith.constant 0 : i32
      %dma_start3A_138 = tpu.memref_slice %arg4[%add3A_135, %dma_start3A_137] : memref<80x128xi32, #tpu.memory_space<vmem>> -> memref<1x128xi32, #tpu.memory_space<vmem>>
      %dma_start3A_139 = tpu.memref_squeeze %dma_start3A_138 : memref<1x128xi32, #tpu.memory_space<vmem>> -> memref<128xi32, #tpu.memory_space<vmem>>
      %dma_start3A_140 = arith.constant 0 : i32
      %dma_start3A_141 = arith.constant 0 : i32
      %dma_start3A_142 = tpu.memref_slice %arg7[%dma_start3A_140, %dma_start3A_141] : memref<10240x16xf32, #tpu.memory_space<vmem_shared>> -> memref<10240x16xf32, #tpu.memory_space<vmem_shared>>
      %dma_start3A_143 = tpu.memref_slice %arg8[%dma_start3A_136] : memref<4x!tpu.dma_semaphore, #tpu.memory_space<semaphore_mem>> -> memref<1x!tpu.dma_semaphore, #tpu.memory_space<semaphore_mem>>
      %dma_start3A_144 = tpu.memref_squeeze %dma_start3A_143 : memref<1x!tpu.dma_semaphore, #tpu.memory_space<semaphore_mem>> -> memref<!tpu.dma_semaphore, #tpu.memory_space<semaphore_mem>>
      tpu.enqueue_indirect_dma source(%arg5 : memref<128x16xf32, #tpu.memory_space<vmem>>) target(%dma_start3A_142 : memref<10240x16xf32, #tpu.memory_space<vmem_shared>>) offsets(%dma_start3A_139 : memref<128xi32, #tpu.memory_space<vmem>>) semaphore(%dma_start3A_144 : memref<!tpu.dma_semaphore, #tpu.memory_space<semaphore_mem>>) {add = true}
    }
    %scan3A_31 = arith.constant 20 : i32
    %dma_wait3A = arith.constant 76 : i32
    %dma_wait3A_32 = arith.constant 0 : i32
    %dma_wait3A_33 = arith.constant 0 : i32
    %dma_wait3A_34 = tpu.memref_slice %arg4[%dma_wait3A, %dma_wait3A_33] : memref<80x128xi32, #tpu.memory_space<vmem>> -> memref<1x128xi32, #tpu.memory_space<vmem>>
    %dma_wait3A_35 = tpu.memref_squeeze %dma_wait3A_34 : memref<1x128xi32, #tpu.memory_space<vmem>> -> memref<128xi32, #tpu.memory_space<vmem>>
    %dma_wait3A_36 = arith.constant 0 : i32
    %dma_wait3A_37 = arith.constant 0 : i32
    %dma_wait3A_38 = tpu.memref_slice %arg7[%dma_wait3A_36, %dma_wait3A_37] : memref<10240x16xf32, #tpu.memory_space<vmem_shared>> -> memref<10240x16xf32, #tpu.memory_space<vmem_shared>>
    %dma_wait3A_39 = tpu.memref_slice %arg8[%dma_wait3A_32] : memref<4x!tpu.dma_semaphore, #tpu.memory_space<semaphore_mem>> -> memref<1x!tpu.dma_semaphore, #tpu.memory_space<semaphore_mem>>
    %dma_wait3A_40 = tpu.memref_squeeze %dma_wait3A_39 : memref<1x!tpu.dma_semaphore, #tpu.memory_space<semaphore_mem>> -> memref<!tpu.dma_semaphore, #tpu.memory_space<semaphore_mem>>
    tpu.wait_indirect_dma semaphore(%dma_wait3A_40 : memref<!tpu.dma_semaphore, #tpu.memory_space<semaphore_mem>>) src(%arg5 : memref<128x16xf32, #tpu.memory_space<vmem>>) dst(%dma_wait3A_38 : memref<10240x16xf32, #tpu.memory_space<vmem_shared>>)
    %dma_wait3A_41 = arith.constant 77 : i32
    %dma_wait3A_42 = arith.constant 1 : i32
    %dma_wait3A_43 = arith.constant 0 : i32
    %dma_wait3A_44 = tpu.memref_slice %arg4[%dma_wait3A_41, %dma_wait3A_43] : memref<80x128xi32, #tpu.memory_space<vmem>> -> memref<1x128xi32, #tpu.memory_space<vmem>>
    %dma_wait3A_45 = tpu.memref_squeeze %dma_wait3A_44 : memref<1x128xi32, #tpu.memory_space<vmem>> -> memref<128xi32, #tpu.memory_space<vmem>>
    %dma_wait3A_46 = arith.constant 0 : i32
    %dma_wait3A_47 = arith.constant 0 : i32
    %dma_wait3A_48 = tpu.memref_slice %arg7[%dma_wait3A_46, %dma_wait3A_47] : memref<10240x16xf32, #tpu.memory_space<vmem_shared>> -> memref<10240x16xf32, #tpu.memory_space<vmem_shared>>
    %dma_wait3A_49 = tpu.memref_slice %arg8[%dma_wait3A_42] : memref<4x!tpu.dma_semaphore, #tpu.memory_space<semaphore_mem>> -> memref<1x!tpu.dma_semaphore, #tpu.memory_space<semaphore_mem>>
    %dma_wait3A_50 = tpu.memref_squeeze %dma_wait3A_49 : memref<1x!tpu.dma_semaphore, #tpu.memory_space<semaphore_mem>> -> memref<!tpu.dma_semaphore, #tpu.memory_space<semaphore_mem>>
    tpu.wait_indirect_dma semaphore(%dma_wait3A_50 : memref<!tpu.dma_semaphore, #tpu.memory_space<semaphore_mem>>) src(%arg5 : memref<128x16xf32, #tpu.memory_space<vmem>>) dst(%dma_wait3A_48 : memref<10240x16xf32, #tpu.memory_space<vmem_shared>>)
    %dma_wait3A_51 = arith.constant 78 : i32
    %dma_wait3A_52 = arith.constant 2 : i32
    %dma_wait3A_53 = arith.constant 0 : i32
    %dma_wait3A_54 = tpu.memref_slice %arg4[%dma_wait3A_51, %dma_wait3A_53] : memref<80x128xi32, #tpu.memory_space<vmem>> -> memref<1x128xi32, #tpu.memory_space<vmem>>
    %dma_wait3A_55 = tpu.memref_squeeze %dma_wait3A_54 : memref<1x128xi32, #tpu.memory_space<vmem>> -> memref<128xi32, #tpu.memory_space<vmem>>
    %dma_wait3A_56 = arith.constant 0 : i32
    %dma_wait3A_57 = arith.constant 0 : i32
    %dma_wait3A_58 = tpu.memref_slice %arg7[%dma_wait3A_56, %dma_wait3A_57] : memref<10240x16xf32, #tpu.memory_space<vmem_shared>> -> memref<10240x16xf32, #tpu.memory_space<vmem_shared>>
    %dma_wait3A_59 = tpu.memref_slice %arg8[%dma_wait3A_52] : memref<4x!tpu.dma_semaphore, #tpu.memory_space<semaphore_mem>> -> memref<1x!tpu.dma_semaphore, #tpu.memory_space<semaphore_mem>>
    %dma_wait3A_60 = tpu.memref_squeeze %dma_wait3A_59 : memref<1x!tpu.dma_semaphore, #tpu.memory_space<semaphore_mem>> -> memref<!tpu.dma_semaphore, #tpu.memory_space<semaphore_mem>>
    tpu.wait_indirect_dma semaphore(%dma_wait3A_60 : memref<!tpu.dma_semaphore, #tpu.memory_space<semaphore_mem>>) src(%arg5 : memref<128x16xf32, #tpu.memory_space<vmem>>) dst(%dma_wait3A_58 : memref<10240x16xf32, #tpu.memory_space<vmem_shared>>)
    %dma_wait3A_61 = arith.constant 79 : i32
    %dma_wait3A_62 = arith.constant 3 : i32
    %dma_wait3A_63 = arith.constant 0 : i32
    %dma_wait3A_64 = tpu.memref_slice %arg4[%dma_wait3A_61, %dma_wait3A_63] : memref<80x128xi32, #tpu.memory_space<vmem>> -> memref<1x128xi32, #tpu.memory_space<vmem>>
    %dma_wait3A_65 = tpu.memref_squeeze %dma_wait3A_64 : memref<1x128xi32, #tpu.memory_space<vmem>> -> memref<128xi32, #tpu.memory_space<vmem>>
    %dma_wait3A_66 = arith.constant 0 : i32
    %dma_wait3A_67 = arith.constant 0 : i32
    %dma_wait3A_68 = tpu.memref_slice %arg7[%dma_wait3A_66, %dma_wait3A_67] : memref<10240x16xf32, #tpu.memory_space<vmem_shared>> -> memref<10240x16xf32, #tpu.memory_space<vmem_shared>>
    %dma_wait3A_69 = tpu.memref_slice %arg8[%dma_wait3A_62] : memref<4x!tpu.dma_semaphore, #tpu.memory_space<semaphore_mem>> -> memref<1x!tpu.dma_semaphore, #tpu.memory_space<semaphore_mem>>
    %dma_wait3A_70 = tpu.memref_squeeze %dma_wait3A_69 : memref<1x!tpu.dma_semaphore, #tpu.memory_space<semaphore_mem>> -> memref<!tpu.dma_semaphore, #tpu.memory_space<semaphore_mem>>
    tpu.wait_indirect_dma semaphore(%dma_wait3A_70 : memref<!tpu.dma_semaphore, #tpu.memory_space<semaphore_mem>>) src(%arg5 : memref<128x16xf32, #tpu.memory_space<vmem>>) dst(%dma_wait3A_68 : memref<10240x16xf32, #tpu.memory_space<vmem_shared>>)
    %barrier3A_71 = arith.constant 0 : index
    tpu.barrier barrier_id(%barrier3A_71)
    %mul3A_72 = arith.constant 640 : i32
    %mul3A_73 = arith.muli %arg1, %mul3A_72 : i32
    %mul3A_74 = arith.constant 640 : i32
    %mul3A_75 = arith.muli %arg1, %mul3A_74 : i32
    "tpu.region"() ({
      %run_scoped3A = tpu.sem_alloc : memref<!tpu.dma_semaphore, #tpu.memory_space<semaphore_mem>>
      %dma_start3A = arith.constant 0 : i32
      %dma_start3A_76 = arith.constant 0 : i32
      %dma_start3A_77 = tpu.memref_slice %arg3[%arg0, %dma_start3A, %dma_start3A_76] : memref<2x10240x16xf32, #tpu.memory_space<hbm>> -> memref<1x10240x16xf32, #tpu.memory_space<hbm>>
      %dma_start3A_78 = tpu.memref_squeeze %dma_start3A_77 : memref<1x10240x16xf32, #tpu.memory_space<hbm>> -> memref<10240x16xf32, #tpu.memory_space<hbm>>
      %dma_start3A_79 = arith.constant 0 : i32
      %dma_start3A_80 = tpu.memref_slice %dma_start3A_78[%mul3A_75, %dma_start3A_79] : memref<10240x16xf32, #tpu.memory_space<hbm>> -> memref<640x16xf32, #tpu.memory_space<hbm>>
      %dma_start3A_81 = arith.constant 0 : i32
      %dma_start3A_82 = tpu.memref_slice %arg7[%mul3A_73, %dma_start3A_81] : memref<10240x16xf32, #tpu.memory_space<vmem_shared>> -> memref<640x16xf32, #tpu.memory_space<vmem_shared>>
      tpu.enqueue_dma source(%dma_start3A_82 : memref<640x16xf32, #tpu.memory_space<vmem_shared>>) target(%dma_start3A_80 : memref<640x16xf32, #tpu.memory_space<hbm>>) target_semaphore(%run_scoped3A : memref<!tpu.dma_semaphore, #tpu.memory_space<semaphore_mem>>)
      %dma_wait3A_83 = arith.constant 0 : i32
      %dma_wait3A_84 = arith.constant 0 : i32
      %dma_wait3A_85 = tpu.memref_slice %arg3[%arg0, %dma_wait3A_83, %dma_wait3A_84] : memref<2x10240x16xf32, #tpu.memory_space<hbm>> -> memref<1x10240x16xf32, #tpu.memory_space<hbm>>
      %dma_wait3A_86 = tpu.memref_squeeze %dma_wait3A_85 : memref<1x10240x16xf32, #tpu.memory_space<hbm>> -> memref<10240x16xf32, #tpu.memory_space<hbm>>
      %dma_wait3A_87 = arith.constant 0 : i32
      %dma_wait3A_88 = tpu.memref_slice %dma_wait3A_86[%mul3A_75, %dma_wait3A_87] : memref<10240x16xf32, #tpu.memory_space<hbm>> -> memref<640x16xf32, #tpu.memory_space<hbm>>
      %dma_wait3A_89 = arith.constant 0 : i32
      %dma_wait3A_90 = tpu.memref_slice %arg7[%mul3A_73, %dma_wait3A_89] : memref<10240x16xf32, #tpu.memory_space<vmem_shared>> -> memref<640x16xf32, #tpu.memory_space<vmem_shared>>
      tpu.wait_dma2 semaphore(%run_scoped3A : memref<!tpu.dma_semaphore, #tpu.memory_space<semaphore_mem>>) src(%dma_wait3A_90 : memref<640x16xf32, #tpu.memory_space<vmem_shared>>) dst(%dma_wait3A_88 : memref<640x16xf32, #tpu.memory_space<hbm>>)
      tpu.yield
    }) : () -> ()
    return
  }
}

#map = affine_map<(d0, d1) -> (0)>
#map1 = affine_map<(d0, d1) -> (0, 0)>
#map2 = affine_map<(d0, d1) -> (0, 0, 0)>
module attributes {stable_mosaic.version = 14 : i64} {
  func.func @_scatter_body(%arg0: i32, %arg1: i32, %arg2: memref<323584xi32, #tpu.memory_space<hbm>>, %arg3: memref<323584xi32, #tpu.memory_space<hbm>>, %arg4: memref<10240x64xf32, #tpu.memory_space<hbm>>, %arg5: memref<2x10240x64xf32, #tpu.memory_space<hbm>>, %arg6: memref<128xi32, #tpu.memory_space<vmem>>, %arg7: memref<128xi32, #tpu.memory_space<vmem>>, %arg8: memref<128x64xf32, #tpu.memory_space<vmem>>, %arg9: memref<128x64xf32, #tpu.memory_space<vmem>>, %arg10: memref<10240x64xf32, #tpu.memory_space<vmem_shared>>, %arg11: memref<!tpu.dma_semaphore, #tpu.memory_space<semaphore_mem>>) attributes {dimension_semantics = [#tpu.dimension_semantics<core_parallel>, #tpu.dimension_semantics<subcore_parallel>], iteration_bounds = array<i64: 2, 16>, scalar_prefetch = 0 : i64, scratch_operands = 6 : i64, tpu.core_type = #tpu.core_type<sc_vector_subcore>, window_params = [{transform_indices = #map}, {transform_indices = #map}, {transform_indices = #map1}, {transform_indices = #map2}]} {
    %mul3A = arith.constant 2 : i32
    %mul3A_0 = arith.muli %arg1, %mul3A : i32
    %add3A = arith.addi %mul3A_0, %arg0 : i32
    %scan3A = arith.constant 0 : i32
    %scan3A_1 = arith.constant 0 : i32
    %scan3A_2 = arith.constant 128 : i32
    %scan3A_3 = arith.addi %scan3A_1, %scan3A_2 : i32
    %scan3A_4 = arith.constant 1 : i32
    scf.for %scan3A_37 = %scan3A_1 to %scan3A_3 step %scan3A_4  : i32 {
      %broadcast_in_dim3A = arith.constant 0.000000e+00 : f32
      %broadcast_in_dim3A_38 = vector.broadcast %broadcast_in_dim3A : f32 to vector<16xf32>
      %swap3A = arith.index_cast %scan3A_37 : i32 to index
      %swap3A_39 = arith.constant 0 : index
      %swap3A_40 = tpu.vector_load %arg9[%swap3A, %swap3A_39] {strides = array<i32>} : memref<128x64xf32, #tpu.memory_space<vmem>>, vector<1x16xf32>,
      %swap3A_41 = vector.shape_cast %swap3A_40 : vector<1x16xf32> to vector<16xf32>
      %swap3A_42 = vector.shape_cast %broadcast_in_dim3A_38 : vector<16xf32> to vector<1x16xf32>
      tpu.vector_store %arg9[%swap3A, %swap3A_39], %swap3A_42 {strides = array<i32>} : memref<128x64xf32, #tpu.memory_space<vmem>>, vector<1x16xf32>,
      %swap3A_43 = arith.index_cast %scan3A_37 : i32 to index
      %swap3A_44 = arith.constant 16 : index
      %swap3A_45 = tpu.vector_load %arg9[%swap3A_43, %swap3A_44] {strides = array<i32>} : memref<128x64xf32, #tpu.memory_space<vmem>>, vector<1x16xf32>,
      %swap3A_46 = vector.shape_cast %swap3A_45 : vector<1x16xf32> to vector<16xf32>
      %swap3A_47 = vector.shape_cast %broadcast_in_dim3A_38 : vector<16xf32> to vector<1x16xf32>
      tpu.vector_store %arg9[%swap3A_43, %swap3A_44], %swap3A_47 {strides = array<i32>} : memref<128x64xf32, #tpu.memory_space<vmem>>, vector<1x16xf32>,
      %swap3A_48 = arith.index_cast %scan3A_37 : i32 to index
      %swap3A_49 = arith.constant 32 : index
      %swap3A_50 = tpu.vector_load %arg9[%swap3A_48, %swap3A_49] {strides = array<i32>} : memref<128x64xf32, #tpu.memory_space<vmem>>, vector<1x16xf32>,
      %swap3A_51 = vector.shape_cast %swap3A_50 : vector<1x16xf32> to vector<16xf32>
      %swap3A_52 = vector.shape_cast %broadcast_in_dim3A_38 : vector<16xf32> to vector<1x16xf32>
      tpu.vector_store %arg9[%swap3A_48, %swap3A_49], %swap3A_52 {strides = array<i32>} : memref<128x64xf32, #tpu.memory_space<vmem>>, vector<1x16xf32>,
      %swap3A_53 = arith.index_cast %scan3A_37 : i32 to index
      %swap3A_54 = arith.constant 48 : index
      %swap3A_55 = tpu.vector_load %arg9[%swap3A_53, %swap3A_54] {strides = array<i32>} : memref<128x64xf32, #tpu.memory_space<vmem>>, vector<1x16xf32>,
      %swap3A_56 = vector.shape_cast %swap3A_55 : vector<1x16xf32> to vector<16xf32>
      %swap3A_57 = vector.shape_cast %broadcast_in_dim3A_38 : vector<16xf32> to vector<1x16xf32>
      tpu.vector_store %arg9[%swap3A_53, %swap3A_54], %swap3A_57 {strides = array<i32>} : memref<128x64xf32, #tpu.memory_space<vmem>>, vector<1x16xf32>,
    }
    %scan3A_5 = arith.constant 128 : i32
    %mul3A_6 = arith.constant 640 : i32
    %mul3A_7 = arith.muli %arg1, %mul3A_6 : i32
    %add3A_8 = arith.constant 0 : i32
    %add3A_9 = arith.addi %mul3A_7, %add3A_8 : i32
    "tpu.region"() ({
      %run_scoped3A = tpu.sem_alloc : memref<!tpu.dma_semaphore, #tpu.memory_space<semaphore_mem>>
      %dma_start3A = arith.constant 0 : i32
      %dma_start3A_37 = tpu.memref_slice %arg10[%add3A_9, %dma_start3A] : memref<10240x64xf32, #tpu.memory_space<vmem_shared>> -> memref<128x64xf32, #tpu.memory_space<vmem_shared>>
      %dma_start3A_38 = arith.constant 0 : i32
      %dma_start3A_39 = tpu.memref_slice %arg10[%add3A_9, %dma_start3A_38] : memref<10240x64xf32, #tpu.memory_space<vmem_shared>> -> memref<128x64xf32, #tpu.memory_space<vmem_shared>>
      tpu.enqueue_dma source(%arg9 : memref<128x64xf32, #tpu.memory_space<vmem>>) target(%dma_start3A_39 : memref<128x64xf32, #tpu.memory_space<vmem_shared>>) target_semaphore(%run_scoped3A : memref<!tpu.dma_semaphore, #tpu.memory_space<semaphore_mem>>)
      %dma_wait3A = arith.constant 0 : i32
      %dma_wait3A_40 = tpu.memref_slice %arg10[%add3A_9, %dma_wait3A] : memref<10240x64xf32, #tpu.memory_space<vmem_shared>> -> memref<128x64xf32, #tpu.memory_space<vmem_shared>>
      %dma_wait3A_41 = arith.constant 0 : i32
      %dma_wait3A_42 = tpu.memref_slice %arg10[%add3A_9, %dma_wait3A_41] : memref<10240x64xf32, #tpu.memory_space<vmem_shared>> -> memref<128x64xf32, #tpu.memory_space<vmem_shared>>
      tpu.wait_dma2 semaphore(%run_scoped3A : memref<!tpu.dma_semaphore, #tpu.memory_space<semaphore_mem>>) src(%arg9 : memref<128x64xf32, #tpu.memory_space<vmem>>) dst(%dma_wait3A_42 : memref<128x64xf32, #tpu.memory_space<vmem_shared>>)
      tpu.yield
    }) : () -> ()
    %mul3A_10 = arith.constant 640 : i32
    %mul3A_11 = arith.muli %arg1, %mul3A_10 : i32
    %add3A_12 = arith.constant 128 : i32
    %add3A_13 = arith.addi %mul3A_11, %add3A_12 : i32
    "tpu.region"() ({
      %run_scoped3A = tpu.sem_alloc : memref<!tpu.dma_semaphore, #tpu.memory_space<semaphore_mem>>
      %dma_start3A = arith.constant 0 : i32
      %dma_start3A_37 = tpu.memref_slice %arg10[%add3A_13, %dma_start3A] : memref<10240x64xf32, #tpu.memory_space<vmem_shared>> -> memref<128x64xf32, #tpu.memory_space<vmem_shared>>
      %dma_start3A_38 = arith.constant 0 : i32
      %dma_start3A_39 = tpu.memref_slice %arg10[%add3A_13, %dma_start3A_38] : memref<10240x64xf32, #tpu.memory_space<vmem_shared>> -> memref<128x64xf32, #tpu.memory_space<vmem_shared>>
      tpu.enqueue_dma source(%arg9 : memref<128x64xf32, #tpu.memory_space<vmem>>) target(%dma_start3A_39 : memref<128x64xf32, #tpu.memory_space<vmem_shared>>) target_semaphore(%run_scoped3A : memref<!tpu.dma_semaphore, #tpu.memory_space<semaphore_mem>>)
      %dma_wait3A = arith.constant 0 : i32
      %dma_wait3A_40 = tpu.memref_slice %arg10[%add3A_13, %dma_wait3A] : memref<10240x64xf32, #tpu.memory_space<vmem_shared>> -> memref<128x64xf32, #tpu.memory_space<vmem_shared>>
      %dma_wait3A_41 = arith.constant 0 : i32
      %dma_wait3A_42 = tpu.memref_slice %arg10[%add3A_13, %dma_wait3A_41] : memref<10240x64xf32, #tpu.memory_space<vmem_shared>> -> memref<128x64xf32, #tpu.memory_space<vmem_shared>>
      tpu.wait_dma2 semaphore(%run_scoped3A : memref<!tpu.dma_semaphore, #tpu.memory_space<semaphore_mem>>) src(%arg9 : memref<128x64xf32, #tpu.memory_space<vmem>>) dst(%dma_wait3A_42 : memref<128x64xf32, #tpu.memory_space<vmem_shared>>)
      tpu.yield
    }) : () -> ()
    %mul3A_14 = arith.constant 640 : i32
    %mul3A_15 = arith.muli %arg1, %mul3A_14 : i32
    %add3A_16 = arith.constant 256 : i32
    %add3A_17 = arith.addi %mul3A_15, %add3A_16 : i32
    "tpu.region"() ({
      %run_scoped3A = tpu.sem_alloc : memref<!tpu.dma_semaphore, #tpu.memory_space<semaphore_mem>>
      %dma_start3A = arith.constant 0 : i32
      %dma_start3A_37 = tpu.memref_slice %arg10[%add3A_17, %dma_start3A] : memref<10240x64xf32, #tpu.memory_space<vmem_shared>> -> memref<128x64xf32, #tpu.memory_space<vmem_shared>>
      %dma_start3A_38 = arith.constant 0 : i32
      %dma_start3A_39 = tpu.memref_slice %arg10[%add3A_17, %dma_start3A_38] : memref<10240x64xf32, #tpu.memory_space<vmem_shared>> -> memref<128x64xf32, #tpu.memory_space<vmem_shared>>
      tpu.enqueue_dma source(%arg9 : memref<128x64xf32, #tpu.memory_space<vmem>>) target(%dma_start3A_39 : memref<128x64xf32, #tpu.memory_space<vmem_shared>>) target_semaphore(%run_scoped3A : memref<!tpu.dma_semaphore, #tpu.memory_space<semaphore_mem>>)
      %dma_wait3A = arith.constant 0 : i32
      %dma_wait3A_40 = tpu.memref_slice %arg10[%add3A_17, %dma_wait3A] : memref<10240x64xf32, #tpu.memory_space<vmem_shared>> -> memref<128x64xf32, #tpu.memory_space<vmem_shared>>
      %dma_wait3A_41 = arith.constant 0 : i32
      %dma_wait3A_42 = tpu.memref_slice %arg10[%add3A_17, %dma_wait3A_41] : memref<10240x64xf32, #tpu.memory_space<vmem_shared>> -> memref<128x64xf32, #tpu.memory_space<vmem_shared>>
      tpu.wait_dma2 semaphore(%run_scoped3A : memref<!tpu.dma_semaphore, #tpu.memory_space<semaphore_mem>>) src(%arg9 : memref<128x64xf32, #tpu.memory_space<vmem>>) dst(%dma_wait3A_42 : memref<128x64xf32, #tpu.memory_space<vmem_shared>>)
      tpu.yield
    }) : () -> ()
    %mul3A_18 = arith.constant 640 : i32
    %mul3A_19 = arith.muli %arg1, %mul3A_18 : i32
    %add3A_20 = arith.constant 384 : i32
    %add3A_21 = arith.addi %mul3A_19, %add3A_20 : i32
    "tpu.region"() ({
      %run_scoped3A = tpu.sem_alloc : memref<!tpu.dma_semaphore, #tpu.memory_space<semaphore_mem>>
      %dma_start3A = arith.constant 0 : i32
      %dma_start3A_37 = tpu.memref_slice %arg10[%add3A_21, %dma_start3A] : memref<10240x64xf32, #tpu.memory_space<vmem_shared>> -> memref<128x64xf32, #tpu.memory_space<vmem_shared>>
      %dma_start3A_38 = arith.constant 0 : i32
      %dma_start3A_39 = tpu.memref_slice %arg10[%add3A_21, %dma_start3A_38] : memref<10240x64xf32, #tpu.memory_space<vmem_shared>> -> memref<128x64xf32, #tpu.memory_space<vmem_shared>>
      tpu.enqueue_dma source(%arg9 : memref<128x64xf32, #tpu.memory_space<vmem>>) target(%dma_start3A_39 : memref<128x64xf32, #tpu.memory_space<vmem_shared>>) target_semaphore(%run_scoped3A : memref<!tpu.dma_semaphore, #tpu.memory_space<semaphore_mem>>)
      %dma_wait3A = arith.constant 0 : i32
      %dma_wait3A_40 = tpu.memref_slice %arg10[%add3A_21, %dma_wait3A] : memref<10240x64xf32, #tpu.memory_space<vmem_shared>> -> memref<128x64xf32, #tpu.memory_space<vmem_shared>>
      %dma_wait3A_41 = arith.constant 0 : i32
      %dma_wait3A_42 = tpu.memref_slice %arg10[%add3A_21, %dma_wait3A_41] : memref<10240x64xf32, #tpu.memory_space<vmem_shared>> -> memref<128x64xf32, #tpu.memory_space<vmem_shared>>
      tpu.wait_dma2 semaphore(%run_scoped3A : memref<!tpu.dma_semaphore, #tpu.memory_space<semaphore_mem>>) src(%arg9 : memref<128x64xf32, #tpu.memory_space<vmem>>) dst(%dma_wait3A_42 : memref<128x64xf32, #tpu.memory_space<vmem_shared>>)
      tpu.yield
    }) : () -> ()
    %mul3A_22 = arith.constant 640 : i32
    %mul3A_23 = arith.muli %arg1, %mul3A_22 : i32
    %add3A_24 = arith.constant 512 : i32
    %add3A_25 = arith.addi %mul3A_23, %add3A_24 : i32
    "tpu.region"() ({
      %run_scoped3A = tpu.sem_alloc : memref<!tpu.dma_semaphore, #tpu.memory_space<semaphore_mem>>
      %dma_start3A = arith.constant 0 : i32
      %dma_start3A_37 = tpu.memref_slice %arg10[%add3A_25, %dma_start3A] : memref<10240x64xf32, #tpu.memory_space<vmem_shared>> -> memref<128x64xf32, #tpu.memory_space<vmem_shared>>
      %dma_start3A_38 = arith.constant 0 : i32
      %dma_start3A_39 = tpu.memref_slice %arg10[%add3A_25, %dma_start3A_38] : memref<10240x64xf32, #tpu.memory_space<vmem_shared>> -> memref<128x64xf32, #tpu.memory_space<vmem_shared>>
      tpu.enqueue_dma source(%arg9 : memref<128x64xf32, #tpu.memory_space<vmem>>) target(%dma_start3A_39 : memref<128x64xf32, #tpu.memory_space<vmem_shared>>) target_semaphore(%run_scoped3A : memref<!tpu.dma_semaphore, #tpu.memory_space<semaphore_mem>>)
      %dma_wait3A = arith.constant 0 : i32
      %dma_wait3A_40 = tpu.memref_slice %arg10[%add3A_25, %dma_wait3A] : memref<10240x64xf32, #tpu.memory_space<vmem_shared>> -> memref<128x64xf32, #tpu.memory_space<vmem_shared>>
      %dma_wait3A_41 = arith.constant 0 : i32
      %dma_wait3A_42 = tpu.memref_slice %arg10[%add3A_25, %dma_wait3A_41] : memref<10240x64xf32, #tpu.memory_space<vmem_shared>> -> memref<128x64xf32, #tpu.memory_space<vmem_shared>>
      tpu.wait_dma2 semaphore(%run_scoped3A : memref<!tpu.dma_semaphore, #tpu.memory_space<semaphore_mem>>) src(%arg9 : memref<128x64xf32, #tpu.memory_space<vmem>>) dst(%dma_wait3A_42 : memref<128x64xf32, #tpu.memory_space<vmem_shared>>)
      tpu.yield
    }) : () -> ()
    %barrier3A = arith.constant 0 : index
    tpu.barrier barrier_id(%barrier3A)
    %scan3A_26 = arith.constant 0 : i32
    %scan3A_27 = arith.constant 0 : i32
    %scan3A_28 = arith.constant 79 : i32
    %scan3A_29 = arith.addi %scan3A_27, %scan3A_28 : i32
    %scan3A_30 = arith.constant 1 : i32
    scf.for %scan3A_37 = %scan3A_27 to %scan3A_29 step %scan3A_30  : i32 {
      %mul3A_38 = arith.constant 10112 : i32
      %mul3A_39 = arith.muli %add3A, %mul3A_38 : i32
      %mul3A_40 = arith.constant 128 : i32
      %mul3A_41 = arith.muli %scan3A_37, %mul3A_40 : i32
      %add3A_42 = arith.addi %mul3A_39, %mul3A_41 : i32
      "tpu.region"() ({
        %run_scoped3A = tpu.sem_alloc : memref<!tpu.dma_semaphore, #tpu.memory_space<semaphore_mem>>
        %dma_start3A_47 = tpu.memref_slice %arg2[%add3A_42] : memref<323584xi32, #tpu.memory_space<hbm>> -> memref<128xi32, #tpu.memory_space<hbm>>
        %dma_start3A_48 = tpu.memref_slice %arg2[%add3A_42] : memref<323584xi32, #tpu.memory_space<hbm>> -> memref<128xi32, #tpu.memory_space<hbm>>
        tpu.enqueue_dma source(%dma_start3A_48 : memref<128xi32, #tpu.memory_space<hbm>>) target(%arg6 : memref<128xi32, #tpu.memory_space<vmem>>) target_semaphore(%run_scoped3A : memref<!tpu.dma_semaphore, #tpu.memory_space<semaphore_mem>>)
        %dma_wait3A_49 = tpu.memref_slice %arg2[%add3A_42] : memref<323584xi32, #tpu.memory_space<hbm>> -> memref<128xi32, #tpu.memory_space<hbm>>
        %dma_wait3A_50 = tpu.memref_slice %arg2[%add3A_42] : memref<323584xi32, #tpu.memory_space<hbm>> -> memref<128xi32, #tpu.memory_space<hbm>>
        tpu.wait_dma2 semaphore(%run_scoped3A : memref<!tpu.dma_semaphore, #tpu.memory_space<semaphore_mem>>) src(%dma_wait3A_50 : memref<128xi32, #tpu.memory_space<hbm>>) dst(%arg6 : memref<128xi32, #tpu.memory_space<vmem>>)
        tpu.yield
      }) : () -> ()
      "tpu.region"() ({
        %run_scoped3A = tpu.sem_alloc : memref<!tpu.dma_semaphore, #tpu.memory_space<semaphore_mem>>
        %dma_start3A_47 = tpu.memref_slice %arg3[%add3A_42] : memref<323584xi32, #tpu.memory_space<hbm>> -> memref<128xi32, #tpu.memory_space<hbm>>
        %dma_start3A_48 = tpu.memref_slice %arg3[%add3A_42] : memref<323584xi32, #tpu.memory_space<hbm>> -> memref<128xi32, #tpu.memory_space<hbm>>
        tpu.enqueue_dma source(%dma_start3A_48 : memref<128xi32, #tpu.memory_space<hbm>>) target(%arg7 : memref<128xi32, #tpu.memory_space<vmem>>) target_semaphore(%run_scoped3A : memref<!tpu.dma_semaphore, #tpu.memory_space<semaphore_mem>>)
        %dma_wait3A_49 = tpu.memref_slice %arg3[%add3A_42] : memref<323584xi32, #tpu.memory_space<hbm>> -> memref<128xi32, #tpu.memory_space<hbm>>
        %dma_wait3A_50 = tpu.memref_slice %arg3[%add3A_42] : memref<323584xi32, #tpu.memory_space<hbm>> -> memref<128xi32, #tpu.memory_space<hbm>>
        tpu.wait_dma2 semaphore(%run_scoped3A : memref<!tpu.dma_semaphore, #tpu.memory_space<semaphore_mem>>) src(%dma_wait3A_50 : memref<128xi32, #tpu.memory_space<hbm>>) dst(%arg7 : memref<128xi32, #tpu.memory_space<vmem>>)
        tpu.yield
      }) : () -> ()
      %dma_start3A = arith.constant 0 : i32
      %dma_start3A_43 = arith.constant 0 : i32
      %dma_start3A_44 = tpu.memref_slice %arg4[%dma_start3A, %dma_start3A_43] : memref<10240x64xf32, #tpu.memory_space<hbm>> -> memref<10240x64xf32, #tpu.memory_space<hbm>>
      tpu.enqueue_indirect_dma source(%dma_start3A_44 : memref<10240x64xf32, #tpu.memory_space<hbm>>) target(%arg8 : memref<128x64xf32, #tpu.memory_space<vmem>>) offsets(%arg6 : memref<128xi32, #tpu.memory_space<vmem>>) semaphore(%arg11 : memref<!tpu.dma_semaphore, #tpu.memory_space<semaphore_mem>>)
      %dma_wait3A = arith.constant 0 : i32
      %dma_wait3A_45 = arith.constant 0 : i32
      %dma_wait3A_46 = tpu.memref_slice %arg4[%dma_wait3A, %dma_wait3A_45] : memref<10240x64xf32, #tpu.memory_space<hbm>> -> memref<10240x64xf32, #tpu.memory_space<hbm>>
      tpu.wait_indirect_dma semaphore(%arg11 : memref<!tpu.dma_semaphore, #tpu.memory_space<semaphore_mem>>) src(%dma_wait3A_46 : memref<10240x64xf32, #tpu.memory_space<hbm>>) dst(%arg8 : memref<128x64xf32, #tpu.memory_space<vmem>>)
      "tpu.region"() ({
        %run_scoped3A = tpu.sem_alloc : memref<!tpu.dma_semaphore, #tpu.memory_space<semaphore_mem>>
        %dma_start3A_47 = arith.constant 0 : i32
        %dma_start3A_48 = arith.constant 0 : i32
        %dma_start3A_49 = tpu.memref_slice %arg10[%dma_start3A_47, %dma_start3A_48] : memref<10240x64xf32, #tpu.memory_space<vmem_shared>> -> memref<10240x64xf32, #tpu.memory_space<vmem_shared>>
        tpu.enqueue_indirect_dma source(%arg8 : memref<128x64xf32, #tpu.memory_space<vmem>>) target(%dma_start3A_49 : memref<10240x64xf32, #tpu.memory_space<vmem_shared>>) offsets(%arg7 : memref<128xi32, #tpu.memory_space<vmem>>) semaphore(%run_scoped3A : memref<!tpu.dma_semaphore, #tpu.memory_space<semaphore_mem>>) {add = true}
        %dma_wait3A_50 = arith.constant 0 : i32
        %dma_wait3A_51 = arith.constant 0 : i32
        %dma_wait3A_52 = tpu.memref_slice %arg10[%dma_wait3A_50, %dma_wait3A_51] : memref<10240x64xf32, #tpu.memory_space<vmem_shared>> -> memref<10240x64xf32, #tpu.memory_space<vmem_shared>>
        tpu.wait_indirect_dma semaphore(%run_scoped3A : memref<!tpu.dma_semaphore, #tpu.memory_space<semaphore_mem>>) src(%arg8 : memref<128x64xf32, #tpu.memory_space<vmem>>) dst(%dma_wait3A_52 : memref<10240x64xf32, #tpu.memory_space<vmem_shared>>)
        tpu.yield
      }) : () -> ()
    }
    %scan3A_31 = arith.constant 79 : i32
    %barrier3A_32 = arith.constant 0 : index
    tpu.barrier barrier_id(%barrier3A_32)
    %mul3A_33 = arith.constant 640 : i32
    %mul3A_34 = arith.muli %arg1, %mul3A_33 : i32
    %mul3A_35 = arith.constant 640 : i32
    %mul3A_36 = arith.muli %arg1, %mul3A_35 : i32
    "tpu.region"() ({
      %run_scoped3A = tpu.sem_alloc : memref<!tpu.dma_semaphore, #tpu.memory_space<semaphore_mem>>
      %dma_start3A = arith.constant 0 : i32
      %dma_start3A_37 = arith.constant 0 : i32
      %dma_start3A_38 = tpu.memref_slice %arg5[%arg0, %dma_start3A, %dma_start3A_37] : memref<2x10240x64xf32, #tpu.memory_space<hbm>> -> memref<1x10240x64xf32, #tpu.memory_space<hbm>>
      %dma_start3A_39 = tpu.memref_squeeze %dma_start3A_38 : memref<1x10240x64xf32, #tpu.memory_space<hbm>> -> memref<10240x64xf32, #tpu.memory_space<hbm>>
      %dma_start3A_40 = arith.constant 0 : i32
      %dma_start3A_41 = tpu.memref_slice %dma_start3A_39[%mul3A_36, %dma_start3A_40] : memref<10240x64xf32, #tpu.memory_space<hbm>> -> memref<640x64xf32, #tpu.memory_space<hbm>>
      %dma_start3A_42 = arith.constant 0 : i32
      %dma_start3A_43 = tpu.memref_slice %arg10[%mul3A_34, %dma_start3A_42] : memref<10240x64xf32, #tpu.memory_space<vmem_shared>> -> memref<640x64xf32, #tpu.memory_space<vmem_shared>>
      tpu.enqueue_dma source(%dma_start3A_43 : memref<640x64xf32, #tpu.memory_space<vmem_shared>>) target(%dma_start3A_41 : memref<640x64xf32, #tpu.memory_space<hbm>>) target_semaphore(%run_scoped3A : memref<!tpu.dma_semaphore, #tpu.memory_space<semaphore_mem>>)
      %dma_wait3A = arith.constant 0 : i32
      %dma_wait3A_44 = arith.constant 0 : i32
      %dma_wait3A_45 = tpu.memref_slice %arg5[%arg0, %dma_wait3A, %dma_wait3A_44] : memref<2x10240x64xf32, #tpu.memory_space<hbm>> -> memref<1x10240x64xf32, #tpu.memory_space<hbm>>
      %dma_wait3A_46 = tpu.memref_squeeze %dma_wait3A_45 : memref<1x10240x64xf32, #tpu.memory_space<hbm>> -> memref<10240x64xf32, #tpu.memory_space<hbm>>
      %dma_wait3A_47 = arith.constant 0 : i32
      %dma_wait3A_48 = tpu.memref_slice %dma_wait3A_46[%mul3A_36, %dma_wait3A_47] : memref<10240x64xf32, #tpu.memory_space<hbm>> -> memref<640x64xf32, #tpu.memory_space<hbm>>
      %dma_wait3A_49 = arith.constant 0 : i32
      %dma_wait3A_50 = tpu.memref_slice %arg10[%mul3A_34, %dma_wait3A_49] : memref<10240x64xf32, #tpu.memory_space<vmem_shared>> -> memref<640x64xf32, #tpu.memory_space<vmem_shared>>
      tpu.wait_dma2 semaphore(%run_scoped3A : memref<!tpu.dma_semaphore, #tpu.memory_space<semaphore_mem>>) src(%dma_wait3A_50 : memref<640x64xf32, #tpu.memory_space<vmem_shared>>) dst(%dma_wait3A_48 : memref<640x64xf32, #tpu.memory_space<hbm>>)
      tpu.yield
    }) : () -> ()
    return
  }
}

module attributes {stable_mosaic.version = 14 : i64} {
  func.func @_l1_body(%arg0: i32, %arg1: memref<2x512x16xf32, #tpu.memory_space<vmem>>, %arg2: memref<512x128xf32, #tpu.memory_space<vmem>>, %arg3: memref<128x64xf32, #tpu.memory_space<vmem>>, %arg4: memref<512x64xf32, #tpu.memory_space<vmem>>) attributes {dimension_semantics = [#tpu.dimension_semantics<arbitrary>], iteration_bounds = array<i64: 20>, scalar_prefetch = 0 : i64, scratch_operands = 0 : i64, tpu.core_type = #tpu.core_type<tc>, window_params = [{transform_indices = @transform_0, window_bounds = array<i64: 2, 512, 16>}, {transform_indices = @transform_1, window_bounds = array<i64: 512, 128>}, {pipeline_mode = #tpu.pipeline_mode<synchronous>, transform_indices = @transform_2, window_bounds = array<i64: 128, 64>}, {transform_indices = @transform_3, window_bounds = array<i64: 512, 64>}]} {
    %get3A = arith.constant 0 : index
    %get3A_0 = arith.constant 0 : index
    %get3A_1 = arith.constant 0 : index
    %get3A_2 = vector.load %arg1[%get3A, %get3A_0, %get3A_1] : memref<2x512x16xf32, #tpu.memory_space<vmem>>, vector<2x512x16xf32>
    %slice3A = vector.extract_strided_slice %get3A_2 {offsets = [0, 0, 0], sizes = [1, 512, 16], strides = [1, 1, 1]} : vector<2x512x16xf32> to vector<1x512x16xf32>
    %squeeze3A = vector.shape_cast %slice3A : vector<1x512x16xf32> to vector<512x16xf32>
    %slice3A_3 = vector.extract_strided_slice %get3A_2 {offsets = [1, 0, 0], sizes = [1, 512, 16], strides = [1, 1, 1]} : vector<2x512x16xf32> to vector<1x512x16xf32>
    %squeeze3A_4 = vector.shape_cast %slice3A_3 : vector<1x512x16xf32> to vector<512x16xf32>
    %add3A = arith.addf %squeeze3A, %squeeze3A_4 : vector<512x16xf32>
    %slice3A_5 = vector.extract_strided_slice %add3A {offsets = [0, 0], sizes = [512, 1], strides = [1, 1]} : vector<512x16xf32> to vector<512x1xf32>
    %add3A_6 = arith.constant 1.000000e+00 : f32
    %add3A_7 = vector.broadcast %add3A_6 : f32 to vector<512x1xf32>
    %add3A_8 = arith.addf %slice3A_5, %add3A_7 : vector<512x1xf32>
    %rsqrt3A = math.rsqrt %add3A_8 : vector<512x1xf32>
    %get3A_9 = arith.constant 0 : index
    %get3A_10 = arith.constant 0 : index
    %get3A_11 = vector.load %arg2[%get3A_9, %get3A_10] : memref<512x128xf32, #tpu.memory_space<vmem>>, vector<512x128xf32>
    %get3A_12 = arith.constant 0 : index
    %get3A_13 = arith.constant 0 : index
    %get3A_14 = vector.load %arg3[%get3A_12, %get3A_13] : memref<128x64xf32, #tpu.memory_space<vmem>>, vector<128x64xf32>
    %dot_general3A = arith.constant dense<0.000000e+00> : vector<512x64xf32>
    %dot_general3A_15 = tpu.matmul %get3A_11, %get3A_14, %dot_general3A {dimension_numbers = #tpu.dot_dimension_numbers<[1], [0], [0], [1], [0, 0, 1, 1], [], []>, transpose_lhs_hint = false} : vector<512x128xf32>, vector<128x64xf32>, vector<512x64xf32> -> vector<512x64xf32>
    %mul3A = vector.broadcast %rsqrt3A : vector<512x1xf32> to vector<512x64xf32>
    %mul3A_16 = arith.mulf %dot_general3A_15, %mul3A : vector<512x64xf32>
    %swap3A = arith.constant 0 : index
    %swap3A_17 = arith.constant 0 : index
    %swap3A_18 = vector.load %arg4[%swap3A, %swap3A_17] : memref<512x64xf32, #tpu.memory_space<vmem>>, vector<512x64xf32>
    tpu.vector_store %arg4[%swap3A, %swap3A_17], %mul3A_16 {strides = array<i32>} : memref<512x64xf32, #tpu.memory_space<vmem>>, vector<512x64xf32>,
    return
  }
  func.func @transform_0(%arg0: i32) -> (i32, i32, i32) {
    %c0_i32 = arith.constant 0 : i32
    %c0_i32_0 = arith.constant 0 : i32
    %c0_i32_1 = arith.constant 0 : i32
    return %c0_i32, %arg0, %c0_i32_0 : i32, i32, i32
  }
  func.func @transform_1(%arg0: i32) -> (i32, i32) {
    %c0_i32 = arith.constant 0 : i32
    %c0_i32_0 = arith.constant 0 : i32
    return %arg0, %c0_i32 : i32, i32
  }
  func.func @transform_2(%arg0: i32) -> (i32, i32) {
    %c0_i32 = arith.constant 0 : i32
    %c0_i32_0 = arith.constant 0 : i32
    %c0_i32_1 = arith.constant 0 : i32
    return %c0_i32, %c0_i32_0 : i32, i32
  }
  func.func @transform_3(%arg0: i32) -> (i32, i32) {
    %c0_i32 = arith.constant 0 : i32
    %c0_i32_0 = arith.constant 0 : i32
    return %arg0, %c0_i32 : i32, i32
  }
}

module attributes {stable_mosaic.version = 14 : i64} {
  func.func @_l2_body(%arg0: i32, %arg1: memref<2x512x16xf32, #tpu.memory_space<vmem>>, %arg2: memref<2x512x64xf32, #tpu.memory_space<vmem>>, %arg3: memref<512x64xf32, #tpu.memory_space<vmem>>, %arg4: memref<64x64xf32, #tpu.memory_space<vmem>>, %arg5: memref<1x64xf32, #tpu.memory_space<vmem>>, %arg6: memref<512x64xf32, #tpu.memory_space<vmem>>) attributes {dimension_semantics = [#tpu.dimension_semantics<arbitrary>], iteration_bounds = array<i64: 20>, scalar_prefetch = 0 : i64, scratch_operands = 0 : i64, tpu.core_type = #tpu.core_type<tc>, window_params = [{transform_indices = @transform_0, window_bounds = array<i64: 2, 512, 16>}, {transform_indices = @transform_1, window_bounds = array<i64: 2, 512, 64>}, {transform_indices = @transform_2, window_bounds = array<i64: 512, 64>}, {pipeline_mode = #tpu.pipeline_mode<synchronous>, transform_indices = @transform_3, window_bounds = array<i64: 64, 64>}, {pipeline_mode = #tpu.pipeline_mode<synchronous>, transform_indices = @transform_4, window_bounds = array<i64: 1, 64>}, {transform_indices = @transform_5, window_bounds = array<i64: 512, 64>}]} {
    %get3A = arith.constant 0 : index
    %get3A_0 = arith.constant 0 : index
    %get3A_1 = arith.constant 0 : index
    %get3A_2 = vector.load %arg1[%get3A, %get3A_0, %get3A_1] : memref<2x512x16xf32, #tpu.memory_space<vmem>>, vector<2x512x16xf32>
    %slice3A = vector.extract_strided_slice %get3A_2 {offsets = [0, 0, 0], sizes = [1, 512, 16], strides = [1, 1, 1]} : vector<2x512x16xf32> to vector<1x512x16xf32>
    %squeeze3A = vector.shape_cast %slice3A : vector<1x512x16xf32> to vector<512x16xf32>
    %slice3A_3 = vector.extract_strided_slice %get3A_2 {offsets = [1, 0, 0], sizes = [1, 512, 16], strides = [1, 1, 1]} : vector<2x512x16xf32> to vector<1x512x16xf32>
    %squeeze3A_4 = vector.shape_cast %slice3A_3 : vector<1x512x16xf32> to vector<512x16xf32>
    %add3A = arith.addf %squeeze3A, %squeeze3A_4 : vector<512x16xf32>
    %slice3A_5 = vector.extract_strided_slice %add3A {offsets = [0, 0], sizes = [512, 1], strides = [1, 1]} : vector<512x16xf32> to vector<512x1xf32>
    %add3A_6 = arith.constant 1.000000e+00 : f32
    %add3A_7 = vector.broadcast %add3A_6 : f32 to vector<512x1xf32>
    %add3A_8 = arith.addf %slice3A_5, %add3A_7 : vector<512x1xf32>
    %rsqrt3A = math.rsqrt %add3A_8 : vector<512x1xf32>
    %get3A_9 = arith.constant 0 : index
    %get3A_10 = arith.constant 0 : index
    %get3A_11 = arith.constant 0 : index
    %get3A_12 = vector.load %arg2[%get3A_9, %get3A_10, %get3A_11] : memref<2x512x64xf32, #tpu.memory_space<vmem>>, vector<1x512x64xf32>
    %get3A_13 = vector.shape_cast %get3A_12 : vector<1x512x64xf32> to vector<512x64xf32>
    %get3A_14 = arith.constant 1 : index
    %get3A_15 = arith.constant 0 : index
    %get3A_16 = arith.constant 0 : index
    %get3A_17 = vector.load %arg2[%get3A_14, %get3A_15, %get3A_16] : memref<2x512x64xf32, #tpu.memory_space<vmem>>, vector<1x512x64xf32>
    %get3A_18 = vector.shape_cast %get3A_17 : vector<1x512x64xf32> to vector<512x64xf32>
    %add3A_19 = arith.addf %get3A_13, %get3A_18 : vector<512x64xf32>
    %get3A_20 = arith.constant 0 : index
    %get3A_21 = arith.constant 0 : index
    %get3A_22 = vector.load %arg3[%get3A_20, %get3A_21] : memref<512x64xf32, #tpu.memory_space<vmem>>, vector<512x64xf32>
    %add3A_23 = arith.addf %add3A_19, %get3A_22 : vector<512x64xf32>
    %mul3A = vector.broadcast %rsqrt3A : vector<512x1xf32> to vector<512x64xf32>
    %mul3A_24 = arith.mulf %mul3A, %add3A_23 : vector<512x64xf32>
    %get3A_25 = arith.constant 0 : index
    %get3A_26 = arith.constant 0 : index
    %get3A_27 = vector.load %arg5[%get3A_25, %get3A_26] : memref<1x64xf32, #tpu.memory_space<vmem>>, vector<1x64xf32>
    %add3A_28 = vector.broadcast %get3A_27 : vector<1x64xf32> to vector<512x64xf32>
    %add3A_29 = arith.addf %mul3A_24, %add3A_28 : vector<512x64xf32>
    %max3A = arith.constant 0.000000e+00 : f32
    %max3A_30 = vector.broadcast %max3A : f32 to vector<512x64xf32>
    %max3A_31 = arith.maximumf %add3A_29, %max3A_30 : vector<512x64xf32>
    %get3A_32 = arith.constant 0 : index
    %get3A_33 = arith.constant 0 : index
    %get3A_34 = vector.load %arg4[%get3A_32, %get3A_33] : memref<64x64xf32, #tpu.memory_space<vmem>>, vector<64x64xf32>
    %dot_general3A = arith.constant dense<0.000000e+00> : vector<512x64xf32>
    %dot_general3A_35 = tpu.matmul %max3A_31, %get3A_34, %dot_general3A {dimension_numbers = #tpu.dot_dimension_numbers<[1], [0], [0], [1], [0, 0, 1, 1], [], []>, transpose_lhs_hint = false} : vector<512x64xf32>, vector<64x64xf32>, vector<512x64xf32> -> vector<512x64xf32>
    %mul3A_36 = vector.broadcast %rsqrt3A : vector<512x1xf32> to vector<512x64xf32>
    %mul3A_37 = arith.mulf %dot_general3A_35, %mul3A_36 : vector<512x64xf32>
    %swap3A = arith.constant 0 : index
    %swap3A_38 = arith.constant 0 : index
    %swap3A_39 = vector.load %arg6[%swap3A, %swap3A_38] : memref<512x64xf32, #tpu.memory_space<vmem>>, vector<512x64xf32>
    tpu.vector_store %arg6[%swap3A, %swap3A_38], %mul3A_37 {strides = array<i32>} : memref<512x64xf32, #tpu.memory_space<vmem>>, vector<512x64xf32>,
    return
  }
  func.func @transform_0(%arg0: i32) -> (i32, i32, i32) {
    %c0_i32 = arith.constant 0 : i32
    %c0_i32_0 = arith.constant 0 : i32
    %c0_i32_1 = arith.constant 0 : i32
    return %c0_i32, %arg0, %c0_i32_0 : i32, i32, i32
  }
  func.func @transform_1(%arg0: i32) -> (i32, i32, i32) {
    %c0_i32 = arith.constant 0 : i32
    %c0_i32_0 = arith.constant 0 : i32
    %c0_i32_1 = arith.constant 0 : i32
    return %c0_i32, %arg0, %c0_i32_0 : i32, i32, i32
  }
  func.func @transform_2(%arg0: i32) -> (i32, i32) {
    %c0_i32 = arith.constant 0 : i32
    %c0_i32_0 = arith.constant 0 : i32
    return %arg0, %c0_i32 : i32, i32
  }
  func.func @transform_3(%arg0: i32) -> (i32, i32) {
    %c0_i32 = arith.constant 0 : i32
    %c0_i32_0 = arith.constant 0 : i32
    %c0_i32_1 = arith.constant 0 : i32
    return %c0_i32, %c0_i32_0 : i32, i32
  }
  func.func @transform_4(%arg0: i32) -> (i32, i32) {
    %c0_i32 = arith.constant 0 : i32
    %c0_i32_0 = arith.constant 0 : i32
    %c0_i32_1 = arith.constant 0 : i32
    return %c0_i32, %c0_i32_0 : i32, i32
  }
  func.func @transform_5(%arg0: i32) -> (i32, i32) {
    %c0_i32 = arith.constant 0 : i32
    %c0_i32_0 = arith.constant 0 : i32
    return %arg0, %c0_i32 : i32, i32
  }
}

module attributes {stable_mosaic.version = 14 : i64} {
  func.func @_pool_body(%arg0: i32, %arg1: memref<2x512x16xf32, #tpu.memory_space<vmem>>, %arg2: memref<2x512x64xf32, #tpu.memory_space<vmem>>, %arg3: memref<512x64xf32, #tpu.memory_space<vmem>>, %arg4: memref<1x1x512xi32, #tpu.memory_space<vmem>>, %arg5: memref<1x64xf32, #tpu.memory_space<vmem>>, %arg6: memref<64x64xf32, #tpu.memory_space<vmem>>, %arg7: memref<1x64xf32, #tpu.memory_space<vmem>>, %arg8: memref<64x128xf32, #tpu.memory_space<vmem>>, %arg9: memref<1x128xf32, #tpu.memory_space<vmem>>, %arg10: memref<256x128xf32, #tpu.memory_space<vmem>>, %arg11: memref<256x64xf32, #tpu.memory_space<vmem>>, %arg12: memref<256x1xf32, #tpu.memory_space<vmem>>) attributes {dimension_semantics = [#tpu.dimension_semantics<arbitrary>], iteration_bounds = array<i64: 20>, scalar_prefetch = 0 : i64, scratch_operands = 2 : i64, tpu.core_type = #tpu.core_type<tc>, window_params = [{transform_indices = @transform_0, window_bounds = array<i64: 2, 512, 16>}, {transform_indices = @transform_1, window_bounds = array<i64: 2, 512, 64>}, {transform_indices = @transform_2, window_bounds = array<i64: 512, 64>}, {transform_indices = @transform_3, window_bounds = array<i64: 1, 1, 512>}, {pipeline_mode = #tpu.pipeline_mode<synchronous>, transform_indices = @transform_4, window_bounds = array<i64: 1, 64>}, {pipeline_mode = #tpu.pipeline_mode<synchronous>, transform_indices = @transform_5, window_bounds = array<i64: 64, 64>}, {pipeline_mode = #tpu.pipeline_mode<synchronous>, transform_indices = @transform_6, window_bounds = array<i64: 1, 64>}, {pipeline_mode = #tpu.pipeline_mode<synchronous>, transform_indices = @transform_7, window_bounds = array<i64: 64, 128>}, {pipeline_mode = #tpu.pipeline_mode<synchronous>, transform_indices = @transform_8, window_bounds = array<i64: 1, 128>}, {pipeline_mode = #tpu.pipeline_mode<synchronous>, transform_indices = @transform_9, window_bounds = array<i64: 256, 128>}]} {
    %get3A = arith.constant 0 : index
    %get3A_0 = arith.constant 0 : index
    %get3A_1 = arith.constant 0 : index
    %get3A_2 = vector.load %arg1[%get3A, %get3A_0, %get3A_1] : memref<2x512x16xf32, #tpu.memory_space<vmem>>, vector<2x512x16xf32>
    %slice3A = vector.extract_strided_slice %get3A_2 {offsets = [0, 0, 0], sizes = [1, 512, 16], strides = [1, 1, 1]} : vector<2x512x16xf32> to vector<1x512x16xf32>
    %squeeze3A = vector.shape_cast %slice3A : vector<1x512x16xf32> to vector<512x16xf32>
    %slice3A_3 = vector.extract_strided_slice %get3A_2 {offsets = [1, 0, 0], sizes = [1, 512, 16], strides = [1, 1, 1]} : vector<2x512x16xf32> to vector<1x512x16xf32>
    %squeeze3A_4 = vector.shape_cast %slice3A_3 : vector<1x512x16xf32> to vector<512x16xf32>
    %add3A = arith.addf %squeeze3A, %squeeze3A_4 : vector<512x16xf32>
    %slice3A_5 = vector.extract_strided_slice %add3A {offsets = [0, 0], sizes = [512, 1], strides = [1, 1]} : vector<512x16xf32> to vector<512x1xf32>
    %add3A_6 = arith.constant 1.000000e+00 : f32
    %add3A_7 = vector.broadcast %add3A_6 : f32 to vector<512x1xf32>
    %add3A_8 = arith.addf %slice3A_5, %add3A_7 : vector<512x1xf32>
    %rsqrt3A = math.rsqrt %add3A_8 : vector<512x1xf32>
    %get3A_9 = arith.constant 0 : index
    %get3A_10 = arith.constant 0 : index
    %get3A_11 = arith.constant 0 : index
    %get3A_12 = vector.load %arg2[%get3A_9, %get3A_10, %get3A_11] : memref<2x512x64xf32, #tpu.memory_space<vmem>>, vector<1x512x64xf32>
    %get3A_13 = vector.shape_cast %get3A_12 : vector<1x512x64xf32> to vector<512x64xf32>
    %get3A_14 = arith.constant 1 : index
    %get3A_15 = arith.constant 0 : index
    %get3A_16 = arith.constant 0 : index
    %get3A_17 = vector.load %arg2[%get3A_14, %get3A_15, %get3A_16] : memref<2x512x64xf32, #tpu.memory_space<vmem>>, vector<1x512x64xf32>
    %get3A_18 = vector.shape_cast %get3A_17 : vector<1x512x64xf32> to vector<512x64xf32>
    %add3A_19 = arith.addf %get3A_13, %get3A_18 : vector<512x64xf32>
    %get3A_20 = arith.constant 0 : index
    %get3A_21 = arith.constant 0 : index
    %get3A_22 = vector.load %arg3[%get3A_20, %get3A_21] : memref<512x64xf32, #tpu.memory_space<vmem>>, vector<512x64xf32>
    %add3A_23 = arith.addf %add3A_19, %get3A_22 : vector<512x64xf32>
    %mul3A = vector.broadcast %rsqrt3A : vector<512x1xf32> to vector<512x64xf32>
    %mul3A_24 = arith.mulf %mul3A, %add3A_23 : vector<512x64xf32>
    %get3A_25 = arith.constant 0 : index
    %get3A_26 = arith.constant 0 : index
    %get3A_27 = vector.load %arg5[%get3A_25, %get3A_26] : memref<1x64xf32, #tpu.memory_space<vmem>>, vector<1x64xf32>
    %add3A_28 = vector.broadcast %get3A_27 : vector<1x64xf32> to vector<512x64xf32>
    %add3A_29 = arith.addf %mul3A_24, %add3A_28 : vector<512x64xf32>
    %max3A = arith.constant 0.000000e+00 : f32
    %max3A_30 = vector.broadcast %max3A : f32 to vector<512x64xf32>
    %max3A_31 = arith.maximumf %add3A_29, %max3A_30 : vector<512x64xf32>
    %get3A_32 = arith.constant 0 : index
    %get3A_33 = arith.constant 0 : index
    %get3A_34 = arith.constant 0 : index
    %get3A_35 = vector.load %arg4[%get3A_32, %get3A_33, %get3A_34] : memref<1x1x512xi32, #tpu.memory_space<vmem>>, vector<1x1x512xi32>
    %get3A_36 = vector.shape_cast %get3A_35 : vector<1x1x512xi32> to vector<1x512xi32>
    %broadcast_in_dim3A = vector.shape_cast %get3A_36 : vector<1x512xi32> to vector<1x512xi32>
    %broadcast_in_dim3A_37 = vector.broadcast %broadcast_in_dim3A : vector<1x512xi32> to vector<256x512xi32>
    %iota3A = tpu.iota {dimensions = array<i32: 0>} : vector<256x512xi32>
    %mul3A_38 = arith.constant 512 : i32
    %mul3A_39 = arith.muli %arg0, %mul3A_38 : i32
    %iota3A_40 = tpu.iota {dimensions = array<i32: 1>} : vector<256x512xi32>
    %add3A_41 = vector.broadcast %mul3A_39 : i32 to vector<256x512xi32>
    %add3A_42 = arith.addi %add3A_41, %iota3A_40 : vector<256x512xi32>
    %eq3A = arith.cmpi eq, %broadcast_in_dim3A_37, %iota3A : vector<256x512xi32>
    %lt3A = arith.constant 10000 : i32
    %lt3A_43 = vector.broadcast %lt3A : i32 to vector<256x512xi32>
    %lt3A_44 = arith.cmpi slt, %add3A_42, %lt3A_43 : vector<256x512xi32>
    %and3A = arith.andi %eq3A, %lt3A_44 : vector<256x512xi1>
    %jit3A = arith.constant 1.000000e+00 : f32
    %jit3A_45 = arith.constant 0.000000e+00 : f32
    %broadcast_in_dim3A_46 = vector.broadcast %jit3A : f32 to vector<256x512xf32>
    %broadcast_in_dim3A_47 = vector.broadcast %jit3A_45 : f32 to vector<256x512xf32>
    %select_n3A = arith.select %and3A, %broadcast_in_dim3A_46, %broadcast_in_dim3A_47 : vector<256x512xi1>, vector<256x512xf32>
    %eq3A_48 = arith.constant 0 : i32
    %eq3A_49 = arith.cmpi eq, %arg0, %eq3A_48 : i32
    %convert_element_type3A = arith.extui %eq3A_49 : i1 to i32
    %cond3A = arith.constant 0 : i32
    %cond3A_50 = arith.cmpi ne, %convert_element_type3A, %cond3A : i32
    scf.if %cond3A_50 {
      %broadcast_in_dim3A_74 = arith.constant 0.000000e+00 : f32
      %broadcast_in_dim3A_75 = vector.broadcast %broadcast_in_dim3A_74 : f32 to vector<256x64xf32>
      %swap3A_76 = arith.constant 0 : index
      %swap3A_77 = arith.constant 0 : index
      %swap3A_78 = vector.load %arg11[%swap3A_76, %swap3A_77] : memref<256x64xf32, #tpu.memory_space<vmem>>, vector<256x64xf32>
      tpu.vector_store %arg11[%swap3A_76, %swap3A_77], %broadcast_in_dim3A_75 {strides = array<i32>} : memref<256x64xf32, #tpu.memory_space<vmem>>, vector<256x64xf32>,
      %broadcast_in_dim3A_79 = arith.constant 0.000000e+00 : f32
      %broadcast_in_dim3A_80 = vector.broadcast %broadcast_in_dim3A_79 : f32 to vector<256x1xf32>
      %swap3A_81 = arith.constant 0 : index
      %swap3A_82 = arith.constant 0 : index
      %swap3A_83 = vector.load %arg12[%swap3A_81, %swap3A_82] : memref<256x1xf32, #tpu.memory_space<vmem>>, vector<256x1xf32>
      tpu.vector_store %arg12[%swap3A_81, %swap3A_82], %broadcast_in_dim3A_80 {strides = array<i32>} : memref<256x1xf32, #tpu.memory_space<vmem>>, vector<256x1xf32>,
    } else {
    }
    %get3A_51 = arith.constant 0 : index
    %get3A_52 = arith.constant 0 : index
    %get3A_53 = vector.load %arg11[%get3A_51, %get3A_52] : memref<256x64xf32, #tpu.memory_space<vmem>>, vector<256x64xf32>
    %dot_general3A = arith.constant dense<0.000000e+00> : vector<256x64xf32>
    %dot_general3A_54 = tpu.matmul %select_n3A, %max3A_31, %dot_general3A {dimension_numbers = #tpu.dot_dimension_numbers<[1], [0], [0], [1], [0, 0, 1, 1], [], []>, transpose_lhs_hint = false} : vector<256x512xf32>, vector<512x64xf32>, vector<256x64xf32> -> vector<256x64xf32>
    %add3A_55 = arith.addf %get3A_53, %dot_general3A_54 : vector<256x64xf32>
    %swap3A = arith.constant 0 : index
    %swap3A_56 = arith.constant 0 : index
    %swap3A_57 = vector.load %arg11[%swap3A, %swap3A_56] : memref<256x64xf32, #tpu.memory_space<vmem>>, vector<256x64xf32>
    tpu.vector_store %arg11[%swap3A, %swap3A_56], %add3A_55 {strides = array<i32>} : memref<256x64xf32, #tpu.memory_space<vmem>>, vector<256x64xf32>,
    %get3A_58 = arith.constant 0 : index
    %get3A_59 = arith.constant 0 : index
    %get3A_60 = vector.load %arg12[%get3A_58, %get3A_59] : memref<256x1xf32, #tpu.memory_space<vmem>>, vector<256x1xf32>
    %broadcast_in_dim3A_61 = arith.constant 1.000000e+00 : f32
    %broadcast_in_dim3A_62 = vector.broadcast %broadcast_in_dim3A_61 : f32 to vector<512x1xf32>
    %dot_general3A_63 = arith.constant dense<0.000000e+00> : vector<256x1xf32>
    %dot_general3A_64 = tpu.matmul %select_n3A, %broadcast_in_dim3A_62, %dot_general3A_63 {dimension_numbers = #tpu.dot_dimension_numbers<[1], [0], [0], [1], [0, 0, 1, 1], [], []>, transpose_lhs_hint = false} : vector<256x512xf32>, vector<512x1xf32>, vector<256x1xf32> -> vector<256x1xf32>
    %add3A_65 = arith.addf %get3A_60, %dot_general3A_64 : vector<256x1xf32>
    %swap3A_66 = arith.constant 0 : index
    %swap3A_67 = arith.constant 0 : index
    %swap3A_68 = vector.load %arg12[%swap3A_66, %swap3A_67] : memref<256x1xf32, #tpu.memory_space<vmem>>, vector<256x1xf32>
    tpu.vector_store %arg12[%swap3A_66, %swap3A_67], %add3A_65 {strides = array<i32>} : memref<256x1xf32, #tpu.memory_space<vmem>>, vector<256x1xf32>,
    %eq3A_69 = arith.constant 19 : i32
    %eq3A_70 = arith.cmpi eq, %arg0, %eq3A_69 : i32
    %convert_element_type3A_71 = arith.extui %eq3A_70 : i1 to i32
    %cond3A_72 = arith.constant 0 : i32
    %cond3A_73 = arith.cmpi ne, %convert_element_type3A_71, %cond3A_72 : i32
    scf.if %cond3A_73 {
      %get3A_74 = arith.constant 0 : index
      %get3A_75 = arith.constant 0 : index
      %get3A_76 = vector.load %arg11[%get3A_74, %get3A_75] : memref<256x64xf32, #tpu.memory_space<vmem>>, vector<256x64xf32>
      %get3A_77 = arith.constant 0 : index
      %get3A_78 = arith.constant 0 : index
      %get3A_79 = vector.load %arg12[%get3A_77, %get3A_78] : memref<256x1xf32, #tpu.memory_space<vmem>>, vector<256x1xf32>
      %max3A_80 = arith.constant 1.000000e+00 : f32
      %max3A_81 = vector.broadcast %max3A_80 : f32 to vector<256x1xf32>
      %max3A_82 = arith.maximumf %get3A_79, %max3A_81 : vector<256x1xf32>
      %div3A = vector.broadcast %max3A_82 : vector<256x1xf32> to vector<256x64xf32>
      %div3A_83 = arith.divf %get3A_76, %div3A : vector<256x64xf32>
      %get3A_84 = arith.constant 0 : index
      %get3A_85 = arith.constant 0 : index
      %get3A_86 = vector.load %arg6[%get3A_84, %get3A_85] : memref<64x64xf32, #tpu.memory_space<vmem>>, vector<64x64xf32>
      %dot_general3A_87 = arith.constant dense<0.000000e+00> : vector<256x64xf32>
      %dot_general3A_88 = tpu.matmul %div3A_83, %get3A_86, %dot_general3A_87 {dimension_numbers = #tpu.dot_dimension_numbers<[1], [0], [0], [1], [0, 0, 1, 1], [], []>, transpose_lhs_hint = false} : vector<256x64xf32>, vector<64x64xf32>, vector<256x64xf32> -> vector<256x64xf32>
      %get3A_89 = arith.constant 0 : index
      %get3A_90 = arith.constant 0 : index
      %get3A_91 = vector.load %arg7[%get3A_89, %get3A_90] : memref<1x64xf32, #tpu.memory_space<vmem>>, vector<1x64xf32>
      %add3A_92 = vector.broadcast %get3A_91 : vector<1x64xf32> to vector<256x64xf32>
      %add3A_93 = arith.addf %dot_general3A_88, %add3A_92 : vector<256x64xf32>
      %max3A_94 = arith.constant 0.000000e+00 : f32
      %max3A_95 = vector.broadcast %max3A_94 : f32 to vector<256x64xf32>
      %max3A_96 = arith.maximumf %add3A_93, %max3A_95 : vector<256x64xf32>
      %get3A_97 = arith.constant 0 : index
      %get3A_98 = arith.constant 0 : index
      %get3A_99 = vector.load %arg8[%get3A_97, %get3A_98] : memref<64x128xf32, #tpu.memory_space<vmem>>, vector<64x128xf32>
      %dot_general3A_100 = arith.constant dense<0.000000e+00> : vector<256x128xf32>
      %dot_general3A_101 = tpu.matmul %max3A_96, %get3A_99, %dot_general3A_100 {dimension_numbers = #tpu.dot_dimension_numbers<[1], [0], [0], [1], [0, 0, 1, 1], [], []>, transpose_lhs_hint = false} : vector<256x64xf32>, vector<64x128xf32>, vector<256x128xf32> -> vector<256x128xf32>
      %get3A_102 = arith.constant 0 : index
      %get3A_103 = arith.constant 0 : index
      %get3A_104 = vector.load %arg9[%get3A_102, %get3A_103] : memref<1x128xf32, #tpu.memory_space<vmem>>, vector<1x128xf32>
      %add3A_105 = vector.broadcast %get3A_104 : vector<1x128xf32> to vector<256x128xf32>
      %add3A_106 = arith.addf %dot_general3A_101, %add3A_105 : vector<256x128xf32>
      %swap3A_107 = arith.constant 0 : index
      %swap3A_108 = arith.constant 0 : index
      %swap3A_109 = vector.load %arg10[%swap3A_107, %swap3A_108] : memref<256x128xf32, #tpu.memory_space<vmem>>, vector<256x128xf32>
      tpu.vector_store %arg10[%swap3A_107, %swap3A_108], %add3A_106 {strides = array<i32>} : memref<256x128xf32, #tpu.memory_space<vmem>>, vector<256x128xf32>,
    } else {
    }
    return
  }
  func.func @transform_0(%arg0: i32) -> (i32, i32, i32) {
    %c0_i32 = arith.constant 0 : i32
    %c0_i32_0 = arith.constant 0 : i32
    %c0_i32_1 = arith.constant 0 : i32
    return %c0_i32, %arg0, %c0_i32_0 : i32, i32, i32
  }
  func.func @transform_1(%arg0: i32) -> (i32, i32, i32) {
    %c0_i32 = arith.constant 0 : i32
    %c0_i32_0 = arith.constant 0 : i32
    %c0_i32_1 = arith.constant 0 : i32
    return %c0_i32, %arg0, %c0_i32_0 : i32, i32, i32
  }
  func.func @transform_2(%arg0: i32) -> (i32, i32) {
    %c0_i32 = arith.constant 0 : i32
    %c0_i32_0 = arith.constant 0 : i32
    return %arg0, %c0_i32 : i32, i32
  }
  func.func @transform_3(%arg0: i32) -> (i32, i32, i32) {
    %c0_i32 = arith.constant 0 : i32
    %c0_i32_0 = arith.constant 0 : i32
    %c0_i32_1 = arith.constant 0 : i32
    return %arg0, %c0_i32, %c0_i32_0 : i32, i32, i32
  }
  func.func @transform_4(%arg0: i32) -> (i32, i32) {
    %c0_i32 = arith.constant 0 : i32
    %c0_i32_0 = arith.constant 0 : i32
    %c0_i32_1 = arith.constant 0 : i32
    return %c0_i32, %c0_i32_0 : i32, i32
  }
  func.func @transform_5(%arg0: i32) -> (i32, i32) {
    %c0_i32 = arith.constant 0 : i32
    %c0_i32_0 = arith.constant 0 : i32
    %c0_i32_1 = arith.constant 0 : i32
    return %c0_i32, %c0_i32_0 : i32, i32
  }
  func.func @transform_6(%arg0: i32) -> (i32, i32) {
    %c0_i32 = arith.constant 0 : i32
    %c0_i32_0 = arith.constant 0 : i32
    %c0_i32_1 = arith.constant 0 : i32
    return %c0_i32, %c0_i32_0 : i32, i32
  }
  func.func @transform_7(%arg0: i32) -> (i32, i32) {
    %c0_i32 = arith.constant 0 : i32
    %c0_i32_0 = arith.constant 0 : i32
    %c0_i32_1 = arith.constant 0 : i32
    return %c0_i32, %c0_i32_0 : i32, i32
  }
  func.func @transform_8(%arg0: i32) -> (i32, i32) {
    %c0_i32 = arith.constant 0 : i32
    %c0_i32_0 = arith.constant 0 : i32
    %c0_i32_1 = arith.constant 0 : i32
    return %c0_i32, %c0_i32_0 : i32, i32
  }
  func.func @transform_9(%arg0: i32) -> (i32, i32) {
    %c0_i32 = arith.constant 0 : i32
    %c0_i32_0 = arith.constant 0 : i32
    %c0_i32_1 = arith.constant 0 : i32
    return %c0_i32, %c0_i32_0 : i32, i32
  }
}

</mosaic_0001>

<sc_bundles>
// kernel: kernel.11.cloned.1.call-start
scs
__scs_entry_jumppad:
0x0: {  	(pc) =	sbr.rel $0x88, $3  }
0x1: {  	(tag) =	ssettag $0x0;
	lr =	simm.s32 $0x1  }
0x2: {  	[smem:$0x3F96] =	sst lr;
	_ =	strace $0xD0000000  }
0x3: {  	_ = 	snop  }
0x4: {  	_ = 	snop  }
0x5: {  	_ = 	snop  }
0x6: {  	_ = 	snop  }
0x7: {  	_ = 	snop  }
__scs_overlays_trampoline_lowered:
0x8: {  	[smem:$0x3FA5] =	sst s0  }
0x9: {  	[smem:$0x3FA6] =	sst s1  }
0xa: {  	[smem:$0x3FA7] =	sst s2  }
0xb: {  	[smem:$0x3FA8] =	sst s3  }
0xc: {  	[smem:$0x3FA9] =	sst s4  }
0xd: {  	[smem:$0x3FAA] =	sst s5  }
0xe: {  	[smem:$0x3FAB] =	sst s6  }
0xf: {  	[smem:$0x3FAC] =	sst s7  }
0x10: {  	[smem:$0x3FAD] =	sst s8  }
0x11: {  	[smem:$0x3FAE] =	sst s9;
	s0 =	simm.s32 @!p0 $0x0  }
0x12: {  	s1 =	sld [smem:$0x3F94];
	s0 =	simm.s32 @p0 $0x1  }
0x13: {  	[smem:$0x3FAF] =	sst s0;
	s0 =	simm.s32 @!p1 $0x0  }
0x14: {  	s2 =	sld [smem:$0x3F93];
	s0 =	simm.s32 @p1 $0x1  }
0x15: {  	[smem:$0x3FB0] =	sst s0;
	s0 =	simm.s32 @!p2 $0x0  }
0x16: {  	s3 =	sld [smem:$0x3FDB];
	s0 =	simm.s32 @p2 $0x1  }
0x17: {  	s4 =	simm.s32 $0x1BF5;
	[smem:$0x3FB2] =	sst s0  }
0x18: {  	s0 =	sld [smem:$0x3F95];
	_ =	swait.ge [sflag:s4], $0x0  }
0x19: {  	s7 =	sld [smem:$0x3F96]  }
0x1a: {  	s8 =	sadd.s32 $0xFFFFE003, lr  }
0x1b: {  	s9 =	sadd.s32 $0xFFFFFEF7, lr;
	s5 =	simm.s32 $0xFFFFFFFF;
	p2 =	slt.u32 s8, $0xFFFFF086  }
0x1c: {  	p1 =	slt.u32 s9, $0xF7A;
	s5 =	simm.s32 @!p2 $0x0  }
0x1d: {  	s5 =	simm.s32 @p1 $0x1;
	p0 =	seq.s32 s7, s2  }
0x1e: {  	s7 =	smul.u32 @!p0 $0xF7A, s2;
	p2 =	seq.s32 @!p0 s5, $0x0  }
0x1f: {  	s9 =	smul.u32 $0xF7A, s1;
	s8 =	simm.s32 @!p0 $0x1BF5;
	p2 =	por !p2, p0  }
0x20: {  	[sflag:s8] =	ssyncset.s32 @!p0 $0xFFFFF086;
	s6 =	sadd.s32 @!p0 s3, s7;
	s7 =	simm.s32 @!p0 $0x108  }
0x21: {  	s3 =	sadd.s32 s3, s9;
	s6 =	sadd.s32 @!p0 $0x88, s6;
	s7 =	simm.s32 @p2 $0x1082  }
0x22: {  	[simem:s7], [sflag:s8] =	dma.local @!p0 [hbm:s6], $0xF7A  }
0x23: {  	s9 =	sor.u32 $0xD0000000, s2;
	s6 =	simm.s32 $0x108;
	_ =	swait.ge @!p0 [sflag:s8], $0x0  }
0x24: {  	s3 =	sadd.s32 $0x88, s3;
	s6 =	simm.s32 @!p1 $0x1082;
	[sflag:s4] =	ssyncset.s32 $0xFFFFF086  }
0x25: {  	[simem:s6], [sflag:s4] =	dma.local [hbm:s3], $0xF7A  }
0x26: {  	[smem:$0x3F96] =	sst s1;
	(tag) =	ssettag s2;
	_ =	strace s9  }
0x27: {  	s1 =	sld [smem:$0x3FA6]  }
0x28: {  	s2 =	sld [smem:$0x3FA7]  }
0x29: {  	s4 =	sld [smem:$0x3FA9]  }
0x2a: {  	p0 =	seq.s32 s5, $0x0;
	s5 =	sld [smem:$0x3FAA]  }
0x2b: {  	s6 =	sld [smem:$0x3FAB]  }
0x2c: {  	s7 =	sld [smem:$0x3FAC]  }
0x2d: {  	s3 =	simm.s32 $0x108;
	s8 =	sld [smem:$0x3FAD]  }
0x2e: {  	s3 =	simm.s32 @!p0 $0x1082;
	s9 =	sld [smem:$0x3FAE]  }
0x2f: {  	lr =	sadd.s32 s0, s3;
	s0 =	sld [smem:$0x3FA5]  }
0x30: {  	s3 =	sld [smem:$0x3FA8]  }
0x31: {  	[smem:$0x3FB1] =	sst s10  }
0x32: {  	s10 =	sld [smem:$0x3FAF];
	_ =	sdelay $0x3  }
0x33: {  	p0 =	seq.s32 s10, $0x1;
	s10 =	sld [smem:$0x3FB1];
	_ =	sdelay $0x3  }
0x34: {  	[smem:$0x3FB1] =	sst s10  }
0x35: {  	s10 =	sld [smem:$0x3FB0];
	_ =	sdelay $0x3  }
0x36: {  	p1 =	seq.s32 s10, $0x1;
	s10 =	sld [smem:$0x3FB1];
	_ =	sdelay $0x3  }
0x37: {  	[smem:$0x3FB1] =	sst s10  }
0x38: {  	s10 =	sld [smem:$0x3FB2]  }
0x39: {  	_ = 	snop;
	(pc) =	sbr.ind lr, $3  }
0x3a: {  	_ = 	snop  }
0x3b: {  	_ = 	snop  }
0x3c: {  	p2 =	seq.s32 s10, $0x1;
	s10 =	sld [smem:$0x3FB1]  }
0x3d: {  	_ =	shalt  }
0x3e: {  	_ =	shalt  }
0x3f: {  	_ =	shalt  }
0x40: {  	_ =	shalt  }
0x41: {  	_ =	shalt  }
0x42: {  	_ =	shalt  }
0x43: {  	_ =	shalt  }
0x44: {  	_ =	shalt  }
0x45: {  	_ =	shalt  }
0x46: {  	_ =	shalt  }
0x47: {  	_ =	shalt  }
0x48: {  	_ =	shalt  }
0x49: {  	_ =	shalt  }
0x4a: {  	_ =	shalt  }
0x4b: {  	_ =	shalt  }
0x4c: {  	_ =	shalt  }
0x4d: {  	_ =	shalt  }
0x4e: {  	_ =	shalt  }
0x4f: {  	_ =	shalt  }
0x50: {  	_ =	shalt  }
0x51: {  	_ =	shalt  }
0x52: {  	_ =	shalt  }
0x53: {  	_ =	shalt  }
0x54: {  	_ =	shalt  }
0x55: {  	_ =	shalt  }
0x56: {  	_ =	shalt  }
0x57: {  	_ =	shalt  }
0x58: {  	_ =	shalt  }
0x59: {  	_ =	shalt  }
0x5a: {  	_ =	shalt  }
0x5b: {  	_ =	shalt  }
0x5c: {  	_ =	shalt  }
0x5d: {  	_ =	shalt  }
0x5e: {  	_ =	shalt  }
0x5f: {  	_ =	shalt  }
0x60: {  	_ =	shalt  }
0x61: {  	_ =	shalt  }
0x62: {  	_ =	shalt  }
0x63: {  	_ =	shalt  }
0x64: {  	_ =	shalt  }
0x65: {  	_ =	shalt  }
0x66: {  	_ =	shalt  }
0x67: {  	_ =	shalt  }
0x68: {  	_ =	shalt  }
0x69: {  	_ =	shalt  }
0x6a: {  	_ =	shalt  }
0x6b: {  	_ =	shalt  }
0x6c: {  	_ =	shalt  }
0x6d: {  	_ =	shalt  }
0x6e: {  	_ =	shalt  }
0x6f: {  	_ =	shalt  }
0x70: {  	_ =	shalt  }
0x71: {  	_ =	shalt  }
0x72: {  	_ =	shalt  }
0x73: {  	_ =	shalt  }
0x74: {  	_ =	shalt  }
0x75: {  	_ =	shalt  }
0x76: {  	_ =	shalt  }
0x77: {  	_ =	shalt  }
0x78: {  	_ =	shalt  }
0x79: {  	_ =	shalt  }
0x7a: {  	_ =	shalt  }
0x7b: {  	_ =	shalt  }
0x7c: {  	_ =	shalt  }
0x7d: {  	_ =	shalt  }
0x7e: {  	_ =	shalt  }
0x7f: {  	_ =	shalt  }
0x80: {  	_ =	shalt  }
0x81: {  	_ =	shalt  }
0x82: {  	_ =	shalt  }
0x83: {  	_ =	shalt  }
0x84: {  	_ =	shalt  }
0x85: {  	_ =	shalt  }
0x86: {  	_ =	shalt  }
0x87: {  	_ =	shalt  }
.Lfunc_end0:
.L_simem_size_0:
called_computation.1_lowered:
.L_overlay_start_0:
0x88: {  	s2 =	sld [smem:$0x3FD9]  }
0x89: {  	s3 =	sld [smem:$0x3FFE];
	_ =	sdelay $0x1  }
0x8a: {  	s1 =	srdreg.scid  }
0x8b: {  	s0 =	sand.u32 $0x1, s1  }
0x8c: {  	s16 =	sshll.u32 s0, $0xA;
	s2 =	sadd.s32 s3, s2  }
0x8d: {  	s2 =	sadd.s32 s2, s16  }
0x8e: {  	[smem:$0x3FBD] =	sst s2  }
0x8f: {  	_ = 	snop  }
0x90: {  	(tm) =	ssettm $0x1  }
0x91: {  	s17 =	sld [smem:$0x3FFB];
	_ =	sdelay $0x3  }
0x92: {  	_ =	strace s17  }
0x93: {  	s2 =	sld [smem:$0x3FFC];
	_ =	sdelay $0x3  }
0x94: {  	_ =	strace s2  }
0x95: {  	s2 =	sld [smem:$0x3FFD];
	_ =	sdelay $0x3  }
0x96: {  	_ =	strace s2  }
0x97: {  	_ =	strace $0x8FFFFFFF  }
0x98: {  	s18 =	sld [smem:$0x3FDB];
	_ =	sdelay $0x1  }
0x99: {  	s19 =	simm.s32 $_scs_section_size  }
0x9a: {  	s4 =	simm.s32 $_size__tile_overlayer_lowered;
	s5 =	simm.s32 $_tile_overlayer_lowered  }
0x9b: {  	s22 =	simm.s32 $0x1BFF;
	s21 =	sshll.u32 s5, $0x1;
	s2 =	sadd.s32 s19, s18  }
0x9c: {  	s6 =	simm.s32 $0x0;
	s20 =	sshll.u32 s4, $0x1;
	s4 =	sadd.s32 s21, s2  }
0x9d: {  	[timem:s6], [sflag:s22] =	dma.local [hbm:s4], s20  }
0x9e: {  	_ =	swait.ge [sflag:s22], s20  }
0x9f: {  	s3 =	ssub.s32 $0x0, s20;
	[sflag:s22] =	ssyncset.done $0x0  }
0xa0: {  	[sflag:s22] =	ssyncadd.s32 s3;
	_ =	sdelay $0x1  }
0xa1: {  	s23 =	simm.s32 $0x1B8B  }
0xa2: {  	_ =	swait.ge [sflag:s23], $0x1  }
0xa3: {  	[sflag:s23] =	ssyncset.done $0x0  }
0xa4: {  	s25 =	simm.s32 $0x1B8E;
	s24 =	sld [smem:$0x3FFE];
	[sflag:s23] =	ssyncadd.s32 $0xFFFFFFFF  }
0xa5: {  	s26 =	simm.s32 $execute0_lowered;
	[smem:$0x3FD2] =	sst s25  }
0xa6: {  	s4 =	sshll.u32 s26, $0x1;
	_ =	strace $0x80000049;
	[dreg:$0x1] =	wrdreg $0xFFFFFFFF  }
0xa7: {  	s28 =	simm.s32 $_size_execute0_lowered;
	s2 =	sadd.s32 s2, s4;
	[dreg:$0x0] =	wrdreg $0x0  }
0xa8: {  	s4 =	sshll.u32 s28, $0x1;
	[dreg:$0x2] =	wrdreg s2  }
0xa9: {  	[dreg:$0x3] =	wrdreg s4  }
0xaa: {  	[dreg:$0x4] =	wrdreg $0xC0  }
0xab: {  	_ =	task [dreg:s6], $0x5FFFF  }
0xac: {  	[dreg:$0x1] =	wrdreg $0xFFFFFFFF  }
0xad: {  	[dreg:$0x0] =	wrdreg $0x60  }
0xae: {  	[dreg:$0x2] =	wrdreg s24  }
0xaf: {  	[dreg:$0x3] =	wrdreg $0x41000  }
0xb0: {  	[dreg:$0x4] =	wrdreg $0x9  }
0xb1: {  	_ =	task.clear_ibuf [dreg:s6], $0x5FFFF;
	_ =	strace $0x90000049  }
0xb2: {  	s29 =	simm.s32 $0x9;
	_ =	strace $0x8000004B  }
0xb3: {  	_ =	swait.ge [sflag:s29], $0x1  }
0xb4: {  	[sflag:s29] =	ssyncadd.s32 $0xFFFFFFFF  }
0xb5: {  	_ =	strace $0x9000004B  }
0xb6: {  	_ =	sfence  }
0xb7: {  	s30 =	sld [smem:$0x0];
	_ =	sdelay $0x2  }
0xb8: {  	s31 =	sshll.u32 s1, $0xD;
	s1 =	sshrl.u32 s1, $0x2  }
0xb9: {  	s3 =	sand.u32 $0x4000, s31;
	s1 =	sadd.s32 s1, s30  }
0xba: {  	s0 =	sor.u32 s3, s0;
	s1 =	sshll.u32 s1, $0x11  }
0xbb: {  	s0 =	sor.u32 s1, s0  }
0xbc: {  	s0 =	sadd.s32 $0x8F2B, s0  }
0xbd: {  	[sflag:s0] =	ssyncadd.remote.s32 $0x1  }
0xbe: {  	_ =	sfence.sel $0xFFFF  }
0xbf: {  	[dreg:$0x0] =	wrdreg $0xFFFFFFFF;
	(pc) =	sbr.abs _section_cstart, $3  }
0xc0: {  	[dreg:$0x1] =	wrdreg $0xFFFFFFFF  }
0xc1: {  	_ =	task.clear_ibuf [dreg:s6], $0x2FFFF;
	_ =	strace $0x9FFFFFFF  }
0xc2: {  	(tm) =	ssettm $0x7FFFFFFF  }
0xc3: {  	_ =	shalt  }
tec
execute0_lowered:
.L_overlay_start_1:
0x0: {  	(tag) =	ssettag $0x1  }
0x1: {  	s1 =	srdreg.scid;
	s6 =	rddreg [dreg:$0x0]  }
0x2: {  	s0 =	stileid.u32;
	s2 =	rddreg [dreg:$0x1]  }
0x3: {  	s3 =	simm.s32 $0x0;
	s14 =	simm.s32 $0x2;
	s4 =	smul.u32 $0x4F00, s0  }
0x4: {  	s15 =	simm.s32 $0x80;
	s16 =	simm.s32 $0x100;
	s8 =	smul.u32 $0x28000, s0  }
0x5: {  	s5 =	sand.u32 $0x1, s1;
	s1 =	rddreg [dreg:$0x2];
	s10 =	smul.u32 $0xA000, s0  }
0x6: {  	s17 =	simm.s32 $0x1;
	[smem:$0x7FF] =	sst s3;
	s7 =	smul.u32 $0x2780, s5  }
0x7: {  	s20 =	sshll.u32 s0, $0x6;
	s29 =	smul.u32 $0x14000, s5;
	s5 =	ssub.s32 $0x2, s5  }
0x8: {  	_ =	strace $0x8000004A;
	s30 =	sshrl.u32 s5, $0x1;
	s31 =	sshrl.u32 s8, $0x2  }
0x9: {  	s19 =	sshrl.u32 s10, $0x3;
	s4 =	sadd.s32 s7, s4;
	s11 =	sadd.s32 s29, s6  }
0xa: {  	s13 =	ssub.s32 s5, s30;
	s5 =	sadd.s32 s10, s2;
	s9 =	sadd.s32 s31, s2  }
0xb: {  	s4 =	sshrl.u32 s4, $0x3;
	s7 =	sadd.s32 $0x4000, s9;
	s8 =	sadd.s32 $0x6000, s9  }
0xc: {  	s18 =	sadd.s32 $0x29A00, s11;
	s10 =	smax.u32 s13, $0x1;
	s13 =	simm.s32 $0x2100  }
0xd: {  	s12 =	sadd.s32 s4, s6;
	s4 =	sadd.s32 $0x1E00, s6;
	s6 =	sadd.s32 $0x2000, s9  }
0xe: {  	s9 =	sadd.s32 $0x8000, s9;
	s18 =	sadd.s32 s19, s18;
	s19 =	sor.u32 $0x1C02, s20  }
0xf: {  	v0 =	vimm.f32 $0.0e+00;
	s20 =	simm.s32 $0x0;
	s11 =	sadd.s32 $0x1FC00, s12;
	s12 =	sadd.s32 $0x15E00, s12  }
.LBB2_1:
0x10: {  	s22 =	simm.s32 $0x100;
	s21 =	simm.s32 $0x0  }
.LBB2_2:
0x11: {  	p0 =	sne.s32 s22, $0x7F00;
	[tilespmem:s21+$0x2130] =	vst v0;
	s23 =	smov.u32 s22;
	s22 =	sadd.s32 $0x100, s22  }
.Ltmp0:
0x12: {  	[tilespmem:s21+$0x2120] =	vst v0;
	(pc) =	sbr.rel @p0 .LBB2_2-.Ltmp0, $3  }
0x13: {  	[tilespmem:s21+$0x2100] =	vst v0  }
0x14: {  	[tilespmem:s21+$0x2110] =	vst v0;
	_ =	sdelay $0x1  }
0x15: {  	s21 =	sshra.s32 s23, $0x2  }
0x16: {  	[tilespmem:s21+$0x2130] =	vst v0  }
0x17: {  	[tilespmem:s21+$0x2120] =	vst v0  }
0x18: {  	[tilespmem:s21+$0x2100] =	vst v0  }
0x19: {  	[tilespmem:s21+$0x2110] =	vst v0  }
0x1a: {  	[spmem:s5] =	stream.linear.scatter [tilespmem:s13], [sflag:$0x2], $0x2000, $0x38;
	[tilespmem:$0xE100] =	vst v63  }
0x1b: {  	_ =	swait.ge [sflag:s14], $0x2000  }
0x1c: {  	[sflag:s14] =	ssyncset.done $0x0  }
0x1d: {  	[sflag:s14] =	ssyncadd.s32 $0xFFFFE000  }
0x1e: {  	[spmem:s6] =	stream.linear.scatter [tilespmem:s13], [sflag:$0x2], $0x2000, $0x38;
	[tilespmem:$0xE100] =	vst v63  }
0x1f: {  	_ =	swait.ge [sflag:s14], $0x2000  }
0x20: {  	[sflag:s14] =	ssyncset.done $0x0  }
0x21: {  	[sflag:s14] =	ssyncadd.s32 $0xFFFFE000  }
0x22: {  	[spmem:s7] =	stream.linear.scatter [tilespmem:s13], [sflag:$0x2], $0x2000, $0x38;
	[tilespmem:$0xE100] =	vst v63  }
0x23: {  	_ =	swait.ge [sflag:s14], $0x2000  }
0x24: {  	[sflag:s14] =	ssyncset.done $0x0  }
0x25: {  	[sflag:s14] =	ssyncadd.s32 $0xFFFFE000  }
0x26: {  	[spmem:s8] =	stream.linear.scatter [tilespmem:s13], [sflag:$0x2], $0x2000, $0x38;
	[tilespmem:$0xE100] =	vst v63  }
0x27: {  	_ =	swait.ge [sflag:s14], $0x2000  }
0x28: {  	[sflag:s14] =	ssyncset.done $0x0  }
0x29: {  	[sflag:s14] =	ssyncadd.s32 $0xFFFFE000  }
0x2a: {  	[spmem:s9] =	stream.linear.scatter [tilespmem:s13], [sflag:$0x2], $0x2000, $0x38;
	[tilespmem:$0xE100] =	vst v63  }
0x2b: {  	_ =	swait.ge [sflag:s14], $0x2000  }
0x2c: {  	[sflag:s14] =	ssyncset.done $0x0  }
0x2d: {  	[sflag:s14] =	ssyncadd.s32 $0xFFFFE000  }
0x2e: {  	s30 =	sadd.s32 $0x0, s12;
	[bflag:$0x0] =	sbarrier.arrive $0xFFFF  }
0x2f: {  	[tilespmem:s3], [sflag:$0x2] =	stream.linear.gather [hbm4b:s30+s3], $0x80, $0x38;
	[tilespmem:$0xE100] =	vst v63  }
0x30: {  	_ =	swait.ge [sflag:s14], $0x80  }
0x31: {  	[sflag:s14] =	ssyncset.done $0x0  }
0x32: {  	s31 =	sadd.s32 $0x0, s11;
	[sflag:s14] =	ssyncadd.s32 $0xFFFFFF80  }
0x33: {  	[tilespmem:s15], [sflag:$0x2] =	stream.linear.gather [hbm4b:s31+s3], $0x80, $0x38;
	[tilespmem:$0xE100] =	vst v63  }
0x34: {  	_ =	swait.ge [sflag:s14], $0x80  }
0x35: {  	[sflag:s14] =	ssyncset.done $0x0  }
0x36: {  	[sflag:s14] =	ssyncadd.s32 $0xFFFFFF80  }
0x37: {  	[tilespmem:s16], [sflag:$0x1] =	stream.indirect.gather [hbm4b:s4+s15], $0x40, s3, s15, $0xb8;
	[tilespmem:$0xE100] =	vst v63  }
0x38: {  	_ =	swait.ge [sflag:s17], $0x2000  }
0x39: {  	[sflag:s17] =	ssyncset.done $0x0  }
0x3a: {  	[sflag:s17] =	ssyncadd.s32 $0xFFFFE000  }
0x3b: {  	[spmem:s2] =	stream.indirect.scatter.add.f32 [tilespmem:s16], [sflag:$0x2], $0x40, s15, s15, $0xb8;
	[tilespmem:$0xE100] =	vst v63  }
0x3c: {  	_ =	swait.ge [sflag:s14], $0x2000  }
0x3d: {  	s21 =	simm.s32 $0x10;
	s22 =	simm.s32 $0x20;
	[sflag:s14] =	ssyncset.done $0x0  }
.LBB2_4:
0x3e: {  	s23 =	sadd.s32 s21, s12  }
0x3f: {  	[sflag:s14] =	ssyncadd.s32 $0xFFFFE000;
	s24 =	smov.u32 s22;
	s25 =	sadd.s32 $0x10, s22  }
0x40: {  	[tilespmem:s3], [sflag:$0x2] =	stream.linear.gather [hbm4b:s23+s3], $0x80, $0x38;
	[tilespmem:$0xE100] =	vst v63  }
0x41: {  	p0 =	sne.s32 s22, $0x4E0;
	_ =	swait.ge [sflag:s14], $0x80  }
0x42: {  	[sflag:s14] =	ssyncset.done $0x0  }
0x43: {  	s22 =	sadd.s32 s21, s11;
	s21 =	smov.u32 s24;
	[sflag:s14] =	ssyncadd.s32 $0xFFFFFF80  }
0x44: {  	[tilespmem:s15], [sflag:$0x2] =	stream.linear.gather [hbm4b:s22+s3], $0x80, $0x38;
	[tilespmem:$0xE100] =	vst v63  }
0x45: {  	_ =	swait.ge [sflag:s14], $0x80  }
0x46: {  	[sflag:s14] =	ssyncset.done $0x0  }
0x47: {  	[sflag:s14] =	ssyncadd.s32 $0xFFFFFF80  }
0x48: {  	[tilespmem:s16], [sflag:$0x1] =	stream.indirect.gather [hbm4b:s4+s15], $0x40, s3, s15, $0xb8;
	[tilespmem:$0xE100] =	vst v63  }
0x49: {  	_ =	swait.ge [sflag:s17], $0x2000  }
.Ltmp1:
0x4a: {  	[sflag:s17] =	ssyncset.done $0x0;
	(pc) =	sbr.rel @p0 .LBB2_4-.Ltmp1, $4  }
0x4b: {  	[sflag:s17] =	ssyncadd.s32 $0xFFFFE000  }
0x4c: {  	[spmem:s2] =	stream.indirect.scatter.add.f32 [tilespmem:s16], [sflag:$0x2], $0x40, s15, s15, $0xb8;
	[tilespmem:$0xE100] =	vst v63  }
0x4d: {  	_ =	swait.ge [sflag:s14], $0x2000  }
0x4e: {  	s22 =	smov.u32 s25;
	[sflag:s14] =	ssyncset.done $0x0  }
0x4f: {  	s22 =	sadd.s32 s21, s12;
	[sflag:s14] =	ssyncadd.s32 $0xFFFFE000  }
0x50: {  	[tilespmem:s3], [sflag:$0x2] =	stream.linear.gather [hbm4b:s22+s3], $0x80, $0x38;
	[tilespmem:$0xE100] =	vst v63  }
0x51: {  	_ =	swait.ge [sflag:s14], $0x80  }
0x52: {  	[sflag:s14] =	ssyncset.done $0x0  }
0x53: {  	s30 =	sadd.s32 s21, s11;
	[sflag:s14] =	ssyncadd.s32 $0xFFFFFF80  }
0x54: {  	[tilespmem:s15], [sflag:$0x2] =	stream.linear.gather [hbm4b:s30+s3], $0x80, $0x38;
	[tilespmem:$0xE100] =	vst v63  }
0x55: {  	_ =	swait.ge [sflag:s14], $0x80  }
0x56: {  	[sflag:s14] =	ssyncset.done $0x0  }
0x57: {  	[sflag:s14] =	ssyncadd.s32 $0xFFFFFF80  }
0x58: {  	[tilespmem:s16], [sflag:$0x1] =	stream.indirect.gather [hbm4b:s4+s15], $0x40, s3, s15, $0xb8;
	[tilespmem:$0xE100] =	vst v63  }
0x59: {  	_ =	swait.ge [sflag:s17], $0x2000  }
0x5a: {  	[sflag:s17] =	ssyncset.done $0x0  }
0x5b: {  	[sflag:s17] =	ssyncadd.s32 $0xFFFFE000  }
0x5c: {  	[spmem:s2] =	stream.indirect.scatter.add.f32 [tilespmem:s16], [sflag:$0x2], $0x40, s15, s15, $0xb8;
	[tilespmem:$0xE100] =	vst v63  }
0x5d: {  	_ =	swait.ge [sflag:s14], $0x2000  }
0x5e: {  	s20 =	sadd.s32 $0x1, s20;
	[sflag:s14] =	ssyncset.done $0x0  }
0x5f: {  	p0 =	sne.s32 s20, s10;
	[sflag:s14] =	ssyncadd.s32 $0xFFFFE000  }
.Ltmp2:
0x60: {  	s31 =	sshrl.u32 s5, $0x3;
	[bflag:$0x0] =	sbarrier.arrive $0xFFFF;
	(pc) =	sbr.rel @p0 .LBB2_1-.Ltmp2, $4  }
0x61: {  	[hbm:s18], [sflag:s19] =	dma.local [spmem:s31], $0x1400  }
0x62: {  	_ =	swait.ge [sflag:s14], $0x1400  }
0x63: {  	[sflag:s14] =	ssyncset.done $0x0  }
0x64: {  	[sflag:s14] =	ssyncadd.s32 $0xFFFFEC00  }
0x65: {  	_ =	sfence.sel $0x180000  }
0x66: {  	[bflag:$0x0] =	sbarrier.arrive $0xFFFF  }
0x67: {  	p0 =	sne.s32 s0, $0x0;
	_ =	strace $0x9000004A  }
0x68: {  	s0 =	sadd.s32 @!p0 $0x100000, s1;
	[bflag:$0x2] =	sbarrier.arrive $0xFFFF  }
0x69: {  	[sflag:s0] =	ssyncadd.tile.s32 @!p0 $0x1;
	_ =	shalt  }
.Lfunc_end2:
_tile_overlayer_lowered:
.L_overlay_start_2:
0x6a: {  	(tag) =	ssettag $0x2  }
0x6b: {  	s0 =	rddreg [dreg:$0x0];
	s2 =	stileid.u32  }
0x6c: {  	s1 =	rddreg [dreg:$0x1];
	p0 =	sne.s32 s2, $0x0  }
0x6d: {  	s3 =	rddreg [dreg:$0x2];
	[bflag:$0x3] =	sbarrier.arrive $0xFFFF;
	s2 =	simm.s32 @!p0 $0x1C02  }
0x6e: {  	[timem:s3], [sflag:s2] =	dma.local @!p0 [hbm:s0], s1  }
0x6f: {  	s0 =	simm.s32 @!p0 $0x2  }
0x70: {  	_ =	swait.ge @!p0 [sflag:s0], s1  }
0x71: {  	s1 =	ssub.s32 @!p0 $0x0, s1;
	[sflag:s0] =	ssyncset.done @!p0 $0x0  }
0x72: {  	[sflag:s0] =	ssyncadd.s32 @!p0 s1  }
0x73: {  	[bflag:$0x3] =	sbarrier.arrive $0xFFFF  }
0x74: {  	_ =	shalt  }

// kernel: kernel.14.cloned.1.call-start
scs
__scs_entry_jumppad:
0x0: {  	(pc) =	sbr.rel $0x88, $3  }
0x1: {  	(tag) =	ssettag $0x0;
	lr =	simm.s32 $0x1  }
0x2: {  	[smem:$0x3F96] =	sst lr;
	_ =	strace $0xD0000000  }
0x3: {  	_ = 	snop  }
0x4: {  	_ = 	snop  }
0x5: {  	_ = 	snop  }
0x6: {  	_ = 	snop  }
0x7: {  	_ = 	snop  }
__scs_overlays_trampoline_lowered:
0x8: {  	[smem:$0x3FA5] =	sst s0  }
0x9: {  	[smem:$0x3FA6] =	sst s1  }
0xa: {  	[smem:$0x3FA7] =	sst s2  }
0xb: {  	[smem:$0x3FA8] =	sst s3  }
0xc: {  	[smem:$0x3FA9] =	sst s4  }
0xd: {  	[smem:$0x3FAA] =	sst s5  }
0xe: {  	[smem:$0x3FAB] =	sst s6  }
0xf: {  	[smem:$0x3FAC] =	sst s7  }
0x10: {  	[smem:$0x3FAD] =	sst s8  }
0x11: {  	[smem:$0x3FAE] =	sst s9;
	s0 =	simm.s32 @!p0 $0x0  }
0x12: {  	s1 =	sld [smem:$0x3F94];
	s0 =	simm.s32 @p0 $0x1  }
0x13: {  	[smem:$0x3FAF] =	sst s0;
	s0 =	simm.s32 @!p1 $0x0  }
0x14: {  	s2 =	sld [smem:$0x3F93];
	s0 =	simm.s32 @p1 $0x1  }
0x15: {  	[smem:$0x3FB0] =	sst s0;
	s0 =	simm.s32 @!p2 $0x0  }
0x16: {  	s3 =	sld [smem:$0x3FDB];
	s0 =	simm.s32 @p2 $0x1  }
0x17: {  	s4 =	simm.s32 $0x1BF5;
	[smem:$0x3FB2] =	sst s0  }
0x18: {  	s0 =	sld [smem:$0x3F95];
	_ =	swait.ge [sflag:s4], $0x0  }
0x19: {  	s7 =	sld [smem:$0x3F96]  }
0x1a: {  	s8 =	sadd.s32 $0xFFFFE003, lr  }
0x1b: {  	s9 =	sadd.s32 $0xFFFFFEF7, lr;
	s5 =	simm.s32 $0xFFFFFFFF;
	p2 =	slt.u32 s8, $0xFFFFF086  }
0x1c: {  	p1 =	slt.u32 s9, $0xF7A;
	s5 =	simm.s32 @!p2 $0x0  }
0x1d: {  	s5 =	simm.s32 @p1 $0x1;
	p0 =	seq.s32 s7, s2  }
0x1e: {  	s7 =	smul.u32 @!p0 $0xF7A, s2;
	p2 =	seq.s32 @!p0 s5, $0x0  }
0x1f: {  	s9 =	smul.u32 $0xF7A, s1;
	s8 =	simm.s32 @!p0 $0x1BF5;
	p2 =	por !p2, p0  }
0x20: {  	[sflag:s8] =	ssyncset.s32 @!p0 $0xFFFFF086;
	s6 =	sadd.s32 @!p0 s3, s7;
	s7 =	simm.s32 @!p0 $0x108  }
0x21: {  	s3 =	sadd.s32 s3, s9;
	s6 =	sadd.s32 @!p0 $0x88, s6;
	s7 =	simm.s32 @p2 $0x1082  }
0x22: {  	[simem:s7], [sflag:s8] =	dma.local @!p0 [hbm:s6], $0xF7A  }
0x23: {  	s9 =	sor.u32 $0xD0000000, s2;
	s6 =	simm.s32 $0x108;
	_ =	swait.ge @!p0 [sflag:s8], $0x0  }
0x24: {  	s3 =	sadd.s32 $0x88, s3;
	s6 =	simm.s32 @!p1 $0x1082;
	[sflag:s4] =	ssyncset.s32 $0xFFFFF086  }
0x25: {  	[simem:s6], [sflag:s4] =	dma.local [hbm:s3], $0xF7A  }
0x26: {  	[smem:$0x3F96] =	sst s1;
	(tag) =	ssettag s2;
	_ =	strace s9  }
0x27: {  	s1 =	sld [smem:$0x3FA6]  }
0x28: {  	s2 =	sld [smem:$0x3FA7]  }
0x29: {  	s4 =	sld [smem:$0x3FA9]  }
0x2a: {  	p0 =	seq.s32 s5, $0x0;
	s5 =	sld [smem:$0x3FAA]  }
0x2b: {  	s6 =	sld [smem:$0x3FAB]  }
0x2c: {  	s7 =	sld [smem:$0x3FAC]  }
0x2d: {  	s3 =	simm.s32 $0x108;
	s8 =	sld [smem:$0x3FAD]  }
0x2e: {  	s3 =	simm.s32 @!p0 $0x1082;
	s9 =	sld [smem:$0x3FAE]  }
0x2f: {  	lr =	sadd.s32 s0, s3;
	s0 =	sld [smem:$0x3FA5]  }
0x30: {  	s3 =	sld [smem:$0x3FA8]  }
0x31: {  	[smem:$0x3FB1] =	sst s10  }
0x32: {  	s10 =	sld [smem:$0x3FAF];
	_ =	sdelay $0x3  }
0x33: {  	p0 =	seq.s32 s10, $0x1;
	s10 =	sld [smem:$0x3FB1];
	_ =	sdelay $0x3  }
0x34: {  	[smem:$0x3FB1] =	sst s10  }
0x35: {  	s10 =	sld [smem:$0x3FB0];
	_ =	sdelay $0x3  }
0x36: {  	p1 =	seq.s32 s10, $0x1;
	s10 =	sld [smem:$0x3FB1];
	_ =	sdelay $0x3  }
0x37: {  	[smem:$0x3FB1] =	sst s10  }
0x38: {  	s10 =	sld [smem:$0x3FB2]  }
0x39: {  	_ = 	snop;
	(pc) =	sbr.ind lr, $3  }
0x3a: {  	_ = 	snop  }
0x3b: {  	_ = 	snop  }
0x3c: {  	p2 =	seq.s32 s10, $0x1;
	s10 =	sld [smem:$0x3FB1]  }
0x3d: {  	_ =	shalt  }
0x3e: {  	_ =	shalt  }
0x3f: {  	_ =	shalt  }
0x40: {  	_ =	shalt  }
0x41: {  	_ =	shalt  }
0x42: {  	_ =	shalt  }
0x43: {  	_ =	shalt  }
0x44: {  	_ =	shalt  }
0x45: {  	_ =	shalt  }
0x46: {  	_ =	shalt  }
0x47: {  	_ =	shalt  }
0x48: {  	_ =	shalt  }
0x49: {  	_ =	shalt  }
0x4a: {  	_ =	shalt  }
0x4b: {  	_ =	shalt  }
0x4c: {  	_ =	shalt  }
0x4d: {  	_ =	shalt  }
0x4e: {  	_ =	shalt  }
0x4f: {  	_ =	shalt  }
0x50: {  	_ =	shalt  }
0x51: {  	_ =	shalt  }
0x52: {  	_ =	shalt  }
0x53: {  	_ =	shalt  }
0x54: {  	_ =	shalt  }
0x55: {  	_ =	shalt  }
0x56: {  	_ =	shalt  }
0x57: {  	_ =	shalt  }
0x58: {  	_ =	shalt  }
0x59: {  	_ =	shalt  }
0x5a: {  	_ =	shalt  }
0x5b: {  	_ =	shalt  }
0x5c: {  	_ =	shalt  }
0x5d: {  	_ =	shalt  }
0x5e: {  	_ =	shalt  }
0x5f: {  	_ =	shalt  }
0x60: {  	_ =	shalt  }
0x61: {  	_ =	shalt  }
0x62: {  	_ =	shalt  }
0x63: {  	_ =	shalt  }
0x64: {  	_ =	shalt  }
0x65: {  	_ =	shalt  }
0x66: {  	_ =	shalt  }
0x67: {  	_ =	shalt  }
0x68: {  	_ =	shalt  }
0x69: {  	_ =	shalt  }
0x6a: {  	_ =	shalt  }
0x6b: {  	_ =	shalt  }
0x6c: {  	_ =	shalt  }
0x6d: {  	_ =	shalt  }
0x6e: {  	_ =	shalt  }
0x6f: {  	_ =	shalt  }
0x70: {  	_ =	shalt  }
0x71: {  	_ =	shalt  }
0x72: {  	_ =	shalt  }
0x73: {  	_ =	shalt  }
0x74: {  	_ =	shalt  }
0x75: {  	_ =	shalt  }
0x76: {  	_ =	shalt  }
0x77: {  	_ =	shalt  }
0x78: {  	_ =	shalt  }
0x79: {  	_ =	shalt  }
0x7a: {  	_ =	shalt  }
0x7b: {  	_ =	shalt  }
0x7c: {  	_ =	shalt  }
0x7d: {  	_ =	shalt  }
0x7e: {  	_ =	shalt  }
0x7f: {  	_ =	shalt  }
0x80: {  	_ =	shalt  }
0x81: {  	_ =	shalt  }
0x82: {  	_ =	shalt  }
0x83: {  	_ =	shalt  }
0x84: {  	_ =	shalt  }
0x85: {  	_ =	shalt  }
0x86: {  	_ =	shalt  }
0x87: {  	_ =	shalt  }
.Lfunc_end0:
.L_simem_size_0:
called_computation.2_lowered:
.L_overlay_start_0:
0x88: {  	s2 =	sld [smem:$0x3FD9]  }
0x89: {  	s3 =	sld [smem:$0x3FFE];
	_ =	sdelay $0x1  }
0x8a: {  	s1 =	srdreg.scid  }
0x8b: {  	s0 =	sand.u32 $0x1, s1  }
0x8c: {  	s16 =	sshll.u32 s0, $0xA;
	s2 =	sadd.s32 s3, s2  }
0x8d: {  	s2 =	sadd.s32 s2, s16  }
0x8e: {  	[smem:$0x3FBD] =	sst s2  }
0x8f: {  	_ = 	snop  }
0x90: {  	(tm) =	ssettm $0x1  }
0x91: {  	s17 =	sld [smem:$0x3FFB];
	_ =	sdelay $0x3  }
0x92: {  	_ =	strace s17  }
0x93: {  	s2 =	sld [smem:$0x3FFC];
	_ =	sdelay $0x3  }
0x94: {  	_ =	strace s2  }
0x95: {  	s2 =	sld [smem:$0x3FFD];
	_ =	sdelay $0x3  }
0x96: {  	_ =	strace s2  }
0x97: {  	_ =	strace $0x8FFFFFFF  }
0x98: {  	s18 =	sld [smem:$0x3FDB];
	_ =	sdelay $0x1  }
0x99: {  	s19 =	simm.s32 $_scs_section_size  }
0x9a: {  	s4 =	simm.s32 $_size__tile_overlayer_lowered;
	s5 =	simm.s32 $_tile_overlayer_lowered  }
0x9b: {  	s22 =	simm.s32 $0x1BFF;
	s21 =	sshll.u32 s5, $0x1;
	s2 =	sadd.s32 s19, s18  }
0x9c: {  	s6 =	simm.s32 $0x0;
	s20 =	sshll.u32 s4, $0x1;
	s4 =	sadd.s32 s21, s2  }
0x9d: {  	[timem:s6], [sflag:s22] =	dma.local [hbm:s4], s20  }
0x9e: {  	_ =	swait.ge [sflag:s22], s20  }
0x9f: {  	s3 =	ssub.s32 $0x0, s20;
	[sflag:s22] =	ssyncset.done $0x0  }
0xa0: {  	[sflag:s22] =	ssyncadd.s32 s3;
	_ =	sdelay $0x1  }
0xa1: {  	s23 =	simm.s32 $0x1B8B  }
0xa2: {  	_ =	swait.ge [sflag:s23], $0x1  }
0xa3: {  	[sflag:s23] =	ssyncset.done $0x0  }
0xa4: {  	s25 =	simm.s32 $0x1B8E;
	s24 =	sld [smem:$0x3FFE];
	[sflag:s23] =	ssyncadd.s32 $0xFFFFFFFF  }
0xa5: {  	s26 =	simm.s32 $execute0_lowered;
	[smem:$0x3FD2] =	sst s25  }
0xa6: {  	s4 =	sshll.u32 s26, $0x1;
	_ =	strace $0x8000004C;
	[dreg:$0x1] =	wrdreg $0xFFFFFFFF  }
0xa7: {  	s28 =	simm.s32 $_size_execute0_lowered;
	s2 =	sadd.s32 s2, s4;
	[dreg:$0x0] =	wrdreg $0x0  }
0xa8: {  	s4 =	sshll.u32 s28, $0x1;
	[dreg:$0x2] =	wrdreg s2  }
0xa9: {  	[dreg:$0x3] =	wrdreg s4  }
0xaa: {  	[dreg:$0x4] =	wrdreg $0xC0  }
0xab: {  	_ =	task [dreg:s6], $0x5FFFF  }
0xac: {  	[dreg:$0x1] =	wrdreg $0xFFFFFFFF  }
0xad: {  	[dreg:$0x0] =	wrdreg $0x60  }
0xae: {  	[dreg:$0x2] =	wrdreg s24  }
0xaf: {  	[dreg:$0x3] =	wrdreg $0x41000  }
0xb0: {  	[dreg:$0x4] =	wrdreg $0x9  }
0xb1: {  	_ =	task.clear_ibuf [dreg:s6], $0x5FFFF;
	_ =	strace $0x9000004C  }
0xb2: {  	s29 =	simm.s32 $0x9;
	_ =	strace $0x8000004E  }
0xb3: {  	_ =	swait.ge [sflag:s29], $0x1  }
0xb4: {  	[sflag:s29] =	ssyncadd.s32 $0xFFFFFFFF  }
0xb5: {  	_ =	strace $0x9000004E  }
0xb6: {  	_ =	sfence  }
0xb7: {  	s30 =	sld [smem:$0x0];
	_ =	sdelay $0x2  }
0xb8: {  	s31 =	sshll.u32 s1, $0xD;
	s1 =	sshrl.u32 s1, $0x2  }
0xb9: {  	s3 =	sand.u32 $0x4000, s31;
	s1 =	sadd.s32 s1, s30  }
0xba: {  	s0 =	sor.u32 s3, s0;
	s1 =	sshll.u32 s1, $0x11  }
0xbb: {  	s0 =	sor.u32 s1, s0  }
0xbc: {  	s0 =	sadd.s32 $0x8F2B, s0  }
0xbd: {  	[sflag:s0] =	ssyncadd.remote.s32 $0x1  }
0xbe: {  	_ =	sfence.sel $0xFFFF  }
0xbf: {  	[dreg:$0x0] =	wrdreg $0xFFFFFFFF;
	(pc) =	sbr.abs _section_cstart, $3  }
0xc0: {  	[dreg:$0x1] =	wrdreg $0xFFFFFFFF  }
0xc1: {  	_ =	task.clear_ibuf [dreg:s6], $0x2FFFF;
	_ =	strace $0x9FFFFFFF  }
0xc2: {  	(tm) =	ssettm $0x7FFFFFFF  }
0xc3: {  	_ =	shalt  }
tec
execute0_lowered:
.L_overlay_start_1:
0x0: {  	(tag) =	ssettag $0x1  }
0x1: {  	s1 =	srdreg.scid;
	s6 =	rddreg [dreg:$0x0]  }
0x2: {  	s0 =	stileid.u32;
	s2 =	rddreg [dreg:$0x1]  }
0x3: {  	s3 =	simm.s32 $0x0;
	s14 =	simm.s32 $0x2;
	s4 =	smul.u32 $0x4F00, s0  }
0x4: {  	s15 =	simm.s32 $0x80;
	s16 =	simm.s32 $0x100;
	s8 =	smul.u32 $0x28000, s0  }
0x5: {  	s5 =	sand.u32 $0x1, s1;
	s1 =	rddreg [dreg:$0x2];
	s10 =	smul.u32 $0xA000, s0  }
0x6: {  	s17 =	simm.s32 $0x1;
	[smem:$0x7FF] =	sst s3;
	s7 =	smul.u32 $0x2780, s5  }
0x7: {  	s20 =	sshll.u32 s0, $0x6;
	s29 =	smul.u32 $0x14000, s5;
	s5 =	ssub.s32 $0x2, s5  }
0x8: {  	_ =	strace $0x8000004D;
	s30 =	sshrl.u32 s5, $0x1;
	s31 =	sshrl.u32 s8, $0x2  }
0x9: {  	s19 =	sshrl.u32 s10, $0x3;
	s4 =	sadd.s32 s7, s4;
	s11 =	sadd.s32 s29, s6  }
0xa: {  	s13 =	ssub.s32 s5, s30;
	s5 =	sadd.s32 s10, s2;
	s9 =	sadd.s32 s31, s2  }
0xb: {  	s4 =	sshrl.u32 s4, $0x3;
	s7 =	sadd.s32 $0x4000, s9;
	s8 =	sadd.s32 $0x6000, s9  }
0xc: {  	s18 =	sadd.s32 $0x29A00, s11;
	s10 =	smax.u32 s13, $0x1;
	s13 =	simm.s32 $0x2100  }
0xd: {  	s12 =	sadd.s32 s4, s6;
	s4 =	sadd.s32 $0x1E00, s6;
	s6 =	sadd.s32 $0x2000, s9  }
0xe: {  	s9 =	sadd.s32 $0x8000, s9;
	s18 =	sadd.s32 s19, s18;
	s19 =	sor.u32 $0x1C02, s20  }
0xf: {  	v0 =	vimm.f32 $0.0e+00;
	s20 =	simm.s32 $0x0;
	s11 =	sadd.s32 $0x1FC00, s12;
	s12 =	sadd.s32 $0x15E00, s12  }
.LBB2_1:
0x10: {  	s22 =	simm.s32 $0x100;
	s21 =	simm.s32 $0x0  }
.LBB2_2:
0x11: {  	p0 =	sne.s32 s22, $0x7F00;
	[tilespmem:s21+$0x2130] =	vst v0;
	s23 =	smov.u32 s22;
	s22 =	sadd.s32 $0x100, s22  }
.Ltmp0:
0x12: {  	[tilespmem:s21+$0x2120] =	vst v0;
	(pc) =	sbr.rel @p0 .LBB2_2-.Ltmp0, $3  }
0x13: {  	[tilespmem:s21+$0x2100] =	vst v0  }
0x14: {  	[tilespmem:s21+$0x2110] =	vst v0;
	_ =	sdelay $0x1  }
0x15: {  	s21 =	sshra.s32 s23, $0x2  }
0x16: {  	[tilespmem:s21+$0x2130] =	vst v0  }
0x17: {  	[tilespmem:s21+$0x2120] =	vst v0  }
0x18: {  	[tilespmem:s21+$0x2100] =	vst v0  }
0x19: {  	[tilespmem:s21+$0x2110] =	vst v0  }
0x1a: {  	[spmem:s5] =	stream.linear.scatter [tilespmem:s13], [sflag:$0x2], $0x2000, $0x38;
	[tilespmem:$0xE100] =	vst v63  }
0x1b: {  	_ =	swait.ge [sflag:s14], $0x2000  }
0x1c: {  	[sflag:s14] =	ssyncset.done $0x0  }
0x1d: {  	[sflag:s14] =	ssyncadd.s32 $0xFFFFE000  }
0x1e: {  	[spmem:s6] =	stream.linear.scatter [tilespmem:s13], [sflag:$0x2], $0x2000, $0x38;
	[tilespmem:$0xE100] =	vst v63  }
0x1f: {  	_ =	swait.ge [sflag:s14], $0x2000  }
0x20: {  	[sflag:s14] =	ssyncset.done $0x0  }
0x21: {  	[sflag:s14] =	ssyncadd.s32 $0xFFFFE000  }
0x22: {  	[spmem:s7] =	stream.linear.scatter [tilespmem:s13], [sflag:$0x2], $0x2000, $0x38;
	[tilespmem:$0xE100] =	vst v63  }
0x23: {  	_ =	swait.ge [sflag:s14], $0x2000  }
0x24: {  	[sflag:s14] =	ssyncset.done $0x0  }
0x25: {  	[sflag:s14] =	ssyncadd.s32 $0xFFFFE000  }
0x26: {  	[spmem:s8] =	stream.linear.scatter [tilespmem:s13], [sflag:$0x2], $0x2000, $0x38;
	[tilespmem:$0xE100] =	vst v63  }
0x27: {  	_ =	swait.ge [sflag:s14], $0x2000  }
0x28: {  	[sflag:s14] =	ssyncset.done $0x0  }
0x29: {  	[sflag:s14] =	ssyncadd.s32 $0xFFFFE000  }
0x2a: {  	[spmem:s9] =	stream.linear.scatter [tilespmem:s13], [sflag:$0x2], $0x2000, $0x38;
	[tilespmem:$0xE100] =	vst v63  }
0x2b: {  	_ =	swait.ge [sflag:s14], $0x2000  }
0x2c: {  	[sflag:s14] =	ssyncset.done $0x0  }
0x2d: {  	[sflag:s14] =	ssyncadd.s32 $0xFFFFE000  }
0x2e: {  	s30 =	sadd.s32 $0x0, s12;
	[bflag:$0x0] =	sbarrier.arrive $0xFFFF  }
0x2f: {  	[tilespmem:s3], [sflag:$0x2] =	stream.linear.gather [hbm4b:s30+s3], $0x80, $0x38;
	[tilespmem:$0xE100] =	vst v63  }
0x30: {  	_ =	swait.ge [sflag:s14], $0x80  }
0x31: {  	[sflag:s14] =	ssyncset.done $0x0  }
0x32: {  	s31 =	sadd.s32 $0x0, s11;
	[sflag:s14] =	ssyncadd.s32 $0xFFFFFF80  }
0x33: {  	[tilespmem:s15], [sflag:$0x2] =	stream.linear.gather [hbm4b:s31+s3], $0x80, $0x38;
	[tilespmem:$0xE100] =	vst v63  }
0x34: {  	_ =	swait.ge [sflag:s14], $0x80  }
0x35: {  	[sflag:s14] =	ssyncset.done $0x0  }
0x36: {  	[sflag:s14] =	ssyncadd.s32 $0xFFFFFF80  }
0x37: {  	[tilespmem:s16], [sflag:$0x1] =	stream.indirect.gather [hbm4b:s4+s15], $0x40, s3, s15, $0xb8;
	[tilespmem:$0xE100] =	vst v63  }
0x38: {  	_ =	swait.ge [sflag:s17], $0x2000  }
0x39: {  	[sflag:s17] =	ssyncset.done $0x0  }
0x3a: {  	[sflag:s17] =	ssyncadd.s32 $0xFFFFE000  }
0x3b: {  	[spmem:s2] =	stream.indirect.scatter.add.f32 [tilespmem:s16], [sflag:$0x2], $0x40, s15, s15, $0xb8;
	[tilespmem:$0xE100] =	vst v63  }
0x3c: {  	_ =	swait.ge [sflag:s14], $0x2000  }
0x3d: {  	s21 =	simm.s32 $0x10;
	s22 =	simm.s32 $0x20;
	[sflag:s14] =	ssyncset.done $0x0  }
.LBB2_4:
0x3e: {  	s23 =	sadd.s32 s21, s12  }
0x3f: {  	[sflag:s14] =	ssyncadd.s32 $0xFFFFE000;
	s24 =	smov.u32 s22;
	s25 =	sadd.s32 $0x10, s22  }
0x40: {  	[tilespmem:s3], [sflag:$0x2] =	stream.linear.gather [hbm4b:s23+s3], $0x80, $0x38;
	[tilespmem:$0xE100] =	vst v63  }
0x41: {  	p0 =	sne.s32 s22, $0x4E0;
	_ =	swait.ge [sflag:s14], $0x80  }
0x42: {  	[sflag:s14] =	ssyncset.done $0x0  }
0x43: {  	s22 =	sadd.s32 s21, s11;
	s21 =	smov.u32 s24;
	[sflag:s14] =	ssyncadd.s32 $0xFFFFFF80  }
0x44: {  	[tilespmem:s15], [sflag:$0x2] =	stream.linear.gather [hbm4b:s22+s3], $0x80, $0x38;
	[tilespmem:$0xE100] =	vst v63  }
0x45: {  	_ =	swait.ge [sflag:s14], $0x80  }
0x46: {  	[sflag:s14] =	ssyncset.done $0x0  }
0x47: {  	[sflag:s14] =	ssyncadd.s32 $0xFFFFFF80  }
0x48: {  	[tilespmem:s16], [sflag:$0x1] =	stream.indirect.gather [hbm4b:s4+s15], $0x40, s3, s15, $0xb8;
	[tilespmem:$0xE100] =	vst v63  }
0x49: {  	_ =	swait.ge [sflag:s17], $0x2000  }
.Ltmp1:
0x4a: {  	[sflag:s17] =	ssyncset.done $0x0;
	(pc) =	sbr.rel @p0 .LBB2_4-.Ltmp1, $4  }
0x4b: {  	[sflag:s17] =	ssyncadd.s32 $0xFFFFE000  }
0x4c: {  	[spmem:s2] =	stream.indirect.scatter.add.f32 [tilespmem:s16], [sflag:$0x2], $0x40, s15, s15, $0xb8;
	[tilespmem:$0xE100] =	vst v63  }
0x4d: {  	_ =	swait.ge [sflag:s14], $0x2000  }
0x4e: {  	s22 =	smov.u32 s25;
	[sflag:s14] =	ssyncset.done $0x0  }
0x4f: {  	s22 =	sadd.s32 s21, s12;
	[sflag:s14] =	ssyncadd.s32 $0xFFFFE000  }
0x50: {  	[tilespmem:s3], [sflag:$0x2] =	stream.linear.gather [hbm4b:s22+s3], $0x80, $0x38;
	[tilespmem:$0xE100] =	vst v63  }
0x51: {  	_ =	swait.ge [sflag:s14], $0x80  }
0x52: {  	[sflag:s14] =	ssyncset.done $0x0  }
0x53: {  	s30 =	sadd.s32 s21, s11;
	[sflag:s14] =	ssyncadd.s32 $0xFFFFFF80  }
0x54: {  	[tilespmem:s15], [sflag:$0x2] =	stream.linear.gather [hbm4b:s30+s3], $0x80, $0x38;
	[tilespmem:$0xE100] =	vst v63  }
0x55: {  	_ =	swait.ge [sflag:s14], $0x80  }
0x56: {  	[sflag:s14] =	ssyncset.done $0x0  }
0x57: {  	[sflag:s14] =	ssyncadd.s32 $0xFFFFFF80  }
0x58: {  	[tilespmem:s16], [sflag:$0x1] =	stream.indirect.gather [hbm4b:s4+s15], $0x40, s3, s15, $0xb8;
	[tilespmem:$0xE100] =	vst v63  }
0x59: {  	_ =	swait.ge [sflag:s17], $0x2000  }
0x5a: {  	[sflag:s17] =	ssyncset.done $0x0  }
0x5b: {  	[sflag:s17] =	ssyncadd.s32 $0xFFFFE000  }
0x5c: {  	[spmem:s2] =	stream.indirect.scatter.add.f32 [tilespmem:s16], [sflag:$0x2], $0x40, s15, s15, $0xb8;
	[tilespmem:$0xE100] =	vst v63  }
0x5d: {  	_ =	swait.ge [sflag:s14], $0x2000  }
0x5e: {  	s20 =	sadd.s32 $0x1, s20;
	[sflag:s14] =	ssyncset.done $0x0  }
0x5f: {  	p0 =	sne.s32 s20, s10;
	[sflag:s14] =	ssyncadd.s32 $0xFFFFE000  }
.Ltmp2:
0x60: {  	s31 =	sshrl.u32 s5, $0x3;
	[bflag:$0x0] =	sbarrier.arrive $0xFFFF;
	(pc) =	sbr.rel @p0 .LBB2_1-.Ltmp2, $4  }
0x61: {  	[hbm:s18], [sflag:s19] =	dma.local [spmem:s31], $0x1400  }
0x62: {  	_ =	swait.ge [sflag:s14], $0x1400  }
0x63: {  	[sflag:s14] =	ssyncset.done $0x0  }
0x64: {  	[sflag:s14] =	ssyncadd.s32 $0xFFFFEC00  }
0x65: {  	_ =	sfence.sel $0x180000  }
0x66: {  	[bflag:$0x0] =	sbarrier.arrive $0xFFFF  }
0x67: {  	p0 =	sne.s32 s0, $0x0;
	_ =	strace $0x9000004D  }
0x68: {  	s0 =	sadd.s32 @!p0 $0x100000, s1;
	[bflag:$0x2] =	sbarrier.arrive $0xFFFF  }
0x69: {  	[sflag:s0] =	ssyncadd.tile.s32 @!p0 $0x1;
	_ =	shalt  }
.Lfunc_end2:
_tile_overlayer_lowered:
.L_overlay_start_2:
0x6a: {  	(tag) =	ssettag $0x2  }
0x6b: {  	s0 =	rddreg [dreg:$0x0];
	s2 =	stileid.u32  }
0x6c: {  	s1 =	rddreg [dreg:$0x1];
	p0 =	sne.s32 s2, $0x0  }
0x6d: {  	s3 =	rddreg [dreg:$0x2];
	[bflag:$0x3] =	sbarrier.arrive $0xFFFF;
	s2 =	simm.s32 @!p0 $0x1C02  }
0x6e: {  	[timem:s3], [sflag:s2] =	dma.local @!p0 [hbm:s0], s1  }
0x6f: {  	s0 =	simm.s32 @!p0 $0x2  }
0x70: {  	_ =	swait.ge @!p0 [sflag:s0], s1  }
0x71: {  	s1 =	ssub.s32 @!p0 $0x0, s1;
	[sflag:s0] =	ssyncset.done @!p0 $0x0  }
0x72: {  	[sflag:s0] =	ssyncadd.s32 @!p0 s1  }
0x73: {  	[bflag:$0x3] =	sbarrier.arrive $0xFFFF  }
0x74: {  	_ =	shalt  }

// kernel: kernel.8.cloned.1.call-start
scs
__scs_entry_jumppad:
0x0: {  	(pc) =	sbr.rel $0x88, $3  }
0x1: {  	(tag) =	ssettag $0x0;
	lr =	simm.s32 $0x1  }
0x2: {  	[smem:$0x3F96] =	sst lr;
	_ =	strace $0xD0000000  }
0x3: {  	_ = 	snop  }
0x4: {  	_ = 	snop  }
0x5: {  	_ = 	snop  }
0x6: {  	_ = 	snop  }
0x7: {  	_ = 	snop  }
__scs_overlays_trampoline_lowered:
0x8: {  	[smem:$0x3FA5] =	sst s0  }
0x9: {  	[smem:$0x3FA6] =	sst s1  }
0xa: {  	[smem:$0x3FA7] =	sst s2  }
0xb: {  	[smem:$0x3FA8] =	sst s3  }
0xc: {  	[smem:$0x3FA9] =	sst s4  }
0xd: {  	[smem:$0x3FAA] =	sst s5  }
0xe: {  	[smem:$0x3FAB] =	sst s6  }
0xf: {  	[smem:$0x3FAC] =	sst s7  }
0x10: {  	[smem:$0x3FAD] =	sst s8  }
0x11: {  	[smem:$0x3FAE] =	sst s9;
	s0 =	simm.s32 @!p0 $0x0  }
0x12: {  	s1 =	sld [smem:$0x3F94];
	s0 =	simm.s32 @p0 $0x1  }
0x13: {  	[smem:$0x3FAF] =	sst s0;
	s0 =	simm.s32 @!p1 $0x0  }
0x14: {  	s2 =	sld [smem:$0x3F93];
	s0 =	simm.s32 @p1 $0x1  }
0x15: {  	[smem:$0x3FB0] =	sst s0;
	s0 =	simm.s32 @!p2 $0x0  }
0x16: {  	s3 =	sld [smem:$0x3FDB];
	s0 =	simm.s32 @p2 $0x1  }
0x17: {  	s4 =	simm.s32 $0x1BF5;
	[smem:$0x3FB2] =	sst s0  }
0x18: {  	s0 =	sld [smem:$0x3F95];
	_ =	swait.ge [sflag:s4], $0x0  }
0x19: {  	s7 =	sld [smem:$0x3F96]  }
0x1a: {  	s8 =	sadd.s32 $0xFFFFE003, lr  }
0x1b: {  	s9 =	sadd.s32 $0xFFFFFEF7, lr;
	s5 =	simm.s32 $0xFFFFFFFF;
	p2 =	slt.u32 s8, $0xFFFFF086  }
0x1c: {  	p1 =	slt.u32 s9, $0xF7A;
	s5 =	simm.s32 @!p2 $0x0  }
0x1d: {  	s5 =	simm.s32 @p1 $0x1;
	p0 =	seq.s32 s7, s2  }
0x1e: {  	s7 =	smul.u32 @!p0 $0xF7A, s2;
	p2 =	seq.s32 @!p0 s5, $0x0  }
0x1f: {  	s9 =	smul.u32 $0xF7A, s1;
	s8 =	simm.s32 @!p0 $0x1BF5;
	p2 =	por !p2, p0  }
0x20: {  	[sflag:s8] =	ssyncset.s32 @!p0 $0xFFFFF086;
	s6 =	sadd.s32 @!p0 s3, s7;
	s7 =	simm.s32 @!p0 $0x108  }
0x21: {  	s3 =	sadd.s32 s3, s9;
	s6 =	sadd.s32 @!p0 $0x88, s6;
	s7 =	simm.s32 @p2 $0x1082  }
0x22: {  	[simem:s7], [sflag:s8] =	dma.local @!p0 [hbm:s6], $0xF7A  }
0x23: {  	s9 =	sor.u32 $0xD0000000, s2;
	s6 =	simm.s32 $0x108;
	_ =	swait.ge @!p0 [sflag:s8], $0x0  }
0x24: {  	s3 =	sadd.s32 $0x88, s3;
	s6 =	simm.s32 @!p1 $0x1082;
	[sflag:s4] =	ssyncset.s32 $0xFFFFF086  }
0x25: {  	[simem:s6], [sflag:s4] =	dma.local [hbm:s3], $0xF7A  }
0x26: {  	[smem:$0x3F96] =	sst s1;
	(tag) =	ssettag s2;
	_ =	strace s9  }
0x27: {  	s1 =	sld [smem:$0x3FA6]  }
0x28: {  	s2 =	sld [smem:$0x3FA7]  }
0x29: {  	s4 =	sld [smem:$0x3FA9]  }
0x2a: {  	p0 =	seq.s32 s5, $0x0;
	s5 =	sld [smem:$0x3FAA]  }
0x2b: {  	s6 =	sld [smem:$0x3FAB]  }
0x2c: {  	s7 =	sld [smem:$0x3FAC]  }
0x2d: {  	s3 =	simm.s32 $0x108;
	s8 =	sld [smem:$0x3FAD]  }
0x2e: {  	s3 =	simm.s32 @!p0 $0x1082;
	s9 =	sld [smem:$0x3FAE]  }
0x2f: {  	lr =	sadd.s32 s0, s3;
	s0 =	sld [smem:$0x3FA5]  }
0x30: {  	s3 =	sld [smem:$0x3FA8]  }
0x31: {  	[smem:$0x3FB1] =	sst s10  }
0x32: {  	s10 =	sld [smem:$0x3FAF];
	_ =	sdelay $0x3  }
0x33: {  	p0 =	seq.s32 s10, $0x1;
	s10 =	sld [smem:$0x3FB1];
	_ =	sdelay $0x3  }
0x34: {  	[smem:$0x3FB1] =	sst s10  }
0x35: {  	s10 =	sld [smem:$0x3FB0];
	_ =	sdelay $0x3  }
0x36: {  	p1 =	seq.s32 s10, $0x1;
	s10 =	sld [smem:$0x3FB1];
	_ =	sdelay $0x3  }
0x37: {  	[smem:$0x3FB1] =	sst s10  }
0x38: {  	s10 =	sld [smem:$0x3FB2]  }
0x39: {  	_ = 	snop;
	(pc) =	sbr.ind lr, $3  }
0x3a: {  	_ = 	snop  }
0x3b: {  	_ = 	snop  }
0x3c: {  	p2 =	seq.s32 s10, $0x1;
	s10 =	sld [smem:$0x3FB1]  }
0x3d: {  	_ =	shalt  }
0x3e: {  	_ =	shalt  }
0x3f: {  	_ =	shalt  }
0x40: {  	_ =	shalt  }
0x41: {  	_ =	shalt  }
0x42: {  	_ =	shalt  }
0x43: {  	_ =	shalt  }
0x44: {  	_ =	shalt  }
0x45: {  	_ =	shalt  }
0x46: {  	_ =	shalt  }
0x47: {  	_ =	shalt  }
0x48: {  	_ =	shalt  }
0x49: {  	_ =	shalt  }
0x4a: {  	_ =	shalt  }
0x4b: {  	_ =	shalt  }
0x4c: {  	_ =	shalt  }
0x4d: {  	_ =	shalt  }
0x4e: {  	_ =	shalt  }
0x4f: {  	_ =	shalt  }
0x50: {  	_ =	shalt  }
0x51: {  	_ =	shalt  }
0x52: {  	_ =	shalt  }
0x53: {  	_ =	shalt  }
0x54: {  	_ =	shalt  }
0x55: {  	_ =	shalt  }
0x56: {  	_ =	shalt  }
0x57: {  	_ =	shalt  }
0x58: {  	_ =	shalt  }
0x59: {  	_ =	shalt  }
0x5a: {  	_ =	shalt  }
0x5b: {  	_ =	shalt  }
0x5c: {  	_ =	shalt  }
0x5d: {  	_ =	shalt  }
0x5e: {  	_ =	shalt  }
0x5f: {  	_ =	shalt  }
0x60: {  	_ =	shalt  }
0x61: {  	_ =	shalt  }
0x62: {  	_ =	shalt  }
0x63: {  	_ =	shalt  }
0x64: {  	_ =	shalt  }
0x65: {  	_ =	shalt  }
0x66: {  	_ =	shalt  }
0x67: {  	_ =	shalt  }
0x68: {  	_ =	shalt  }
0x69: {  	_ =	shalt  }
0x6a: {  	_ =	shalt  }
0x6b: {  	_ =	shalt  }
0x6c: {  	_ =	shalt  }
0x6d: {  	_ =	shalt  }
0x6e: {  	_ =	shalt  }
0x6f: {  	_ =	shalt  }
0x70: {  	_ =	shalt  }
0x71: {  	_ =	shalt  }
0x72: {  	_ =	shalt  }
0x73: {  	_ =	shalt  }
0x74: {  	_ =	shalt  }
0x75: {  	_ =	shalt  }
0x76: {  	_ =	shalt  }
0x77: {  	_ =	shalt  }
0x78: {  	_ =	shalt  }
0x79: {  	_ =	shalt  }
0x7a: {  	_ =	shalt  }
0x7b: {  	_ =	shalt  }
0x7c: {  	_ =	shalt  }
0x7d: {  	_ =	shalt  }
0x7e: {  	_ =	shalt  }
0x7f: {  	_ =	shalt  }
0x80: {  	_ =	shalt  }
0x81: {  	_ =	shalt  }
0x82: {  	_ =	shalt  }
0x83: {  	_ =	shalt  }
0x84: {  	_ =	shalt  }
0x85: {  	_ =	shalt  }
0x86: {  	_ =	shalt  }
0x87: {  	_ =	shalt  }
.Lfunc_end0:
.L_simem_size_0:
called_computation_lowered:
.L_overlay_start_0:
0x88: {  	s2 =	sld [smem:$0x3FD9]  }
0x89: {  	s3 =	sld [smem:$0x3FFE];
	_ =	sdelay $0x1  }
0x8a: {  	s1 =	srdreg.scid  }
0x8b: {  	s0 =	sand.u32 $0x1, s1  }
0x8c: {  	s16 =	sshll.u32 s0, $0xA;
	s2 =	sadd.s32 s3, s2  }
0x8d: {  	s2 =	sadd.s32 s2, s16  }
0x8e: {  	[smem:$0x3FBD] =	sst s2  }
0x8f: {  	_ = 	snop  }
0x90: {  	(tm) =	ssettm $0x1  }
0x91: {  	s17 =	sld [smem:$0x3FFB];
	_ =	sdelay $0x3  }
0x92: {  	_ =	strace s17  }
0x93: {  	s2 =	sld [smem:$0x3FFC];
	_ =	sdelay $0x3  }
0x94: {  	_ =	strace s2  }
0x95: {  	s2 =	sld [smem:$0x3FFD];
	_ =	sdelay $0x3  }
0x96: {  	_ =	strace s2  }
0x97: {  	_ =	strace $0x8FFFFFFF  }
0x98: {  	s18 =	sld [smem:$0x3FDB];
	_ =	sdelay $0x1  }
0x99: {  	s19 =	simm.s32 $_scs_section_size  }
0x9a: {  	s4 =	simm.s32 $_size__tile_overlayer_lowered;
	s5 =	simm.s32 $_tile_overlayer_lowered  }
0x9b: {  	s22 =	simm.s32 $0x1BFF;
	s21 =	sshll.u32 s5, $0x1;
	s2 =	sadd.s32 s19, s18  }
0x9c: {  	s6 =	simm.s32 $0x0;
	s20 =	sshll.u32 s4, $0x1;
	s4 =	sadd.s32 s21, s2  }
0x9d: {  	[timem:s6], [sflag:s22] =	dma.local [hbm:s4], s20  }
0x9e: {  	_ =	swait.ge [sflag:s22], s20  }
0x9f: {  	s3 =	ssub.s32 $0x0, s20;
	[sflag:s22] =	ssyncset.done $0x0  }
0xa0: {  	[sflag:s22] =	ssyncadd.s32 s3;
	_ =	sdelay $0x1  }
0xa1: {  	s23 =	simm.s32 $0x1B8B  }
0xa2: {  	_ =	swait.ge [sflag:s23], $0x1  }
0xa3: {  	[sflag:s23] =	ssyncset.done $0x0  }
0xa4: {  	s25 =	simm.s32 $0x1B8E;
	s24 =	sld [smem:$0x3FFE];
	[sflag:s23] =	ssyncadd.s32 $0xFFFFFFFF  }
0xa5: {  	s26 =	simm.s32 $execute0_lowered;
	[smem:$0x3FD2] =	sst s25  }
0xa6: {  	s4 =	sshll.u32 s26, $0x1;
	_ =	strace $0x80000046;
	[dreg:$0x1] =	wrdreg $0xFFFFFFFF  }
0xa7: {  	s28 =	simm.s32 $_size_execute0_lowered;
	s2 =	sadd.s32 s2, s4;
	[dreg:$0x0] =	wrdreg $0x0  }
0xa8: {  	s4 =	sshll.u32 s28, $0x1;
	[dreg:$0x2] =	wrdreg s2  }
0xa9: {  	[dreg:$0x3] =	wrdreg s4  }
0xaa: {  	[dreg:$0x4] =	wrdreg $0xC0  }
0xab: {  	_ =	task [dreg:s6], $0x5FFFF  }
0xac: {  	[dreg:$0x1] =	wrdreg $0xFFFFFFFF  }
0xad: {  	[dreg:$0x0] =	wrdreg $0x60  }
0xae: {  	[dreg:$0x2] =	wrdreg s24  }
0xaf: {  	[dreg:$0x3] =	wrdreg $0x38000  }
0xb0: {  	[dreg:$0x4] =	wrdreg $0x9  }
0xb1: {  	_ =	task.clear_ibuf [dreg:s6], $0x5FFFF;
	_ =	strace $0x90000046  }
0xb2: {  	s29 =	simm.s32 $0x9;
	_ =	strace $0x80000048  }
0xb3: {  	_ =	swait.ge [sflag:s29], $0x1  }
0xb4: {  	[sflag:s29] =	ssyncadd.s32 $0xFFFFFFFF  }
0xb5: {  	_ =	strace $0x90000048  }
0xb6: {  	_ =	sfence  }
0xb7: {  	s30 =	sld [smem:$0x0];
	_ =	sdelay $0x2  }
0xb8: {  	s31 =	sshll.u32 s1, $0xD;
	s1 =	sshrl.u32 s1, $0x2  }
0xb9: {  	s3 =	sand.u32 $0x4000, s31;
	s1 =	sadd.s32 s1, s30  }
0xba: {  	s0 =	sor.u32 s3, s0;
	s1 =	sshll.u32 s1, $0x11  }
0xbb: {  	s0 =	sor.u32 s1, s0  }
0xbc: {  	s0 =	sadd.s32 $0x8F2B, s0  }
0xbd: {  	[sflag:s0] =	ssyncadd.remote.s32 $0x1  }
0xbe: {  	_ =	sfence.sel $0xFFFF  }
0xbf: {  	[dreg:$0x0] =	wrdreg $0xFFFFFFFF;
	(pc) =	sbr.abs _section_cstart, $3  }
0xc0: {  	[dreg:$0x1] =	wrdreg $0xFFFFFFFF  }
0xc1: {  	_ =	task.clear_ibuf [dreg:s6], $0x2FFFF;
	_ =	strace $0x9FFFFFFF  }
0xc2: {  	(tm) =	ssettm $0x7FFFFFFF  }
0xc3: {  	_ =	shalt  }
tec
execute0_lowered:
.L_overlay_start_1:
0x0: {  	(tag) =	ssettag $0x1  }
0x1: {  	s4 =	rddreg [dreg:$0x0];
	s1 =	srdreg.scid  }
0x2: {  	s0 =	stileid.u32;
	s2 =	rddreg [dreg:$0x1]  }
0x3: {  	s3 =	simm.s32 $0x0;
	s13 =	simm.s32 $0x80;
	s14 =	simm.s32 $0x2800  }
0x4: {  	s15 =	simm.s32 $0x100;
	s16 =	simm.s32 $0x180;
	s17 =	simm.s32 $0x1  }
0x5: {  	s18 =	simm.s32 $0x2;
	s19 =	simm.s32 $0x3;
	s20 =	simm.s32 $0x4  }
0x6: {  	s5 =	sand.u32 $0x1, s1;
	s1 =	rddreg [dreg:$0x2];
	s7 =	smul.u32 $0xA000, s0  }
0x7: {  	s6 =	sshll.u32 s0, $0x1;
	[smem:$0x7FF] =	sst s3;
	s10 =	smul.u32 $0x2800, s0  }
0x8: {  	s6 =	sor.u32 s5, s6;
	s8 =	smul.u32 $0x5000, s5;
	s5 =	ssub.s32 $0x2, s5  }
0x9: {  	_ =	strace $0x80000047;
	s6 =	smul.u32 $0x500, s6;
	s9 =	sshrl.u32 s5, $0x1  }
0xa: {  	s7 =	sshrl.u32 s7, $0x2;
	s22 =	sshrl.u32 s10, $0x3;
	s11 =	sadd.s32 s8, s4  }
0xb: {  	s12 =	ssub.s32 s5, s9;
	s31 =	sadd.s32 s7, s2;
	s5 =	sadd.s32 s10, s2  }
0xc: {  	s6 =	sadd.s32 s6, s4;
	s7 =	sadd.s32 $0x1000, s31;
	s8 =	sadd.s32 $0x1800, s31  }
0xd: {  	s9 =	sadd.s32 $0x2000, s31;
	s21 =	sadd.s32 $0xBE00, s11;
	s10 =	smax.u32 s12, $0x1  }
0xe: {  	s11 =	simm.s32 $0x5;
	s12 =	simm.s32 $0x3000;
	s4 =	sadd.s32 $0x1E00, s6  }
0xf: {  	v0 =	vimm.f32 $1.000000000e+00;
	v1 =	vimm.f32 $0.0e+00;
	s6 =	sadd.s32 $0x800, s31;
	s21 =	sadd.s32 s22, s21;
	s22 =	simm.s32 $0x0  }
.LBB2_1:
0x10: {  	[tilespmem:s3], [sflag:$0x5] =	stream.linear.gather [hbm4b:s4+s3], $0x2800, $0x38;
	[tilespmem:$0x6000] =	vst v63  }
0x11: {  	_ =	swait.ge [sflag:s11], $0x2800  }
0x12: {  	[sflag:s11] =	ssyncset.done $0x0  }
0x13: {  	s23 =	simm.s32 $0x40;
	s24 =	simm.s32 $0x0;
	[sflag:s11] =	ssyncadd.s32 $0xFFFFD800  }
.LBB2_2:
0x14: {  	p0 =	sne.s32 s23, $0x1FC0;
	[tilespmem:s24+$0x2800] =	vst v0;
	s25 =	smov.u32 s23;
	s23 =	sadd.s32 $0x40, s23  }
.Ltmp0:
0x15: {  	[tilespmem:s24+$0x3000] =	vst v1;
	(pc) =	sbr.rel @p0 .LBB2_2-.Ltmp0, $2  }
0x16: {  	_ =	sdelay $0x2  }
0x17: {  	s24 =	sshra.s32 s25, $0x2  }
0x18: {  	[tilespmem:s24+$0x2800] =	vst v0  }
0x19: {  	[tilespmem:s24+$0x3000] =	vst v1  }
0x1a: {  	[spmem:s5] =	stream.linear.scatter [tilespmem:s12], [sflag:$0x5], $0x800, $0x38;
	[tilespmem:$0x6000] =	vst v63  }
0x1b: {  	_ =	swait.ge [sflag:s11], $0x800  }
0x1c: {  	[sflag:s11] =	ssyncset.done $0x0  }
0x1d: {  	[sflag:s11] =	ssyncadd.s32 $0xFFFFF800  }
0x1e: {  	[spmem:s6] =	stream.linear.scatter [tilespmem:s12], [sflag:$0x5], $0x800, $0x38;
	[tilespmem:$0x6000] =	vst v63  }
0x1f: {  	_ =	swait.ge [sflag:s11], $0x800  }
0x20: {  	[sflag:s11] =	ssyncset.done $0x0  }
0x21: {  	[sflag:s11] =	ssyncadd.s32 $0xFFFFF800  }
0x22: {  	[spmem:s7] =	stream.linear.scatter [tilespmem:s12], [sflag:$0x5], $0x800, $0x38;
	[tilespmem:$0x6000] =	vst v63  }
0x23: {  	_ =	swait.ge [sflag:s11], $0x800  }
0x24: {  	[sflag:s11] =	ssyncset.done $0x0  }
0x25: {  	[sflag:s11] =	ssyncadd.s32 $0xFFFFF800  }
0x26: {  	[spmem:s8] =	stream.linear.scatter [tilespmem:s12], [sflag:$0x5], $0x800, $0x38;
	[tilespmem:$0x6000] =	vst v63  }
0x27: {  	_ =	swait.ge [sflag:s11], $0x800  }
0x28: {  	[sflag:s11] =	ssyncset.done $0x0  }
0x29: {  	[sflag:s11] =	ssyncadd.s32 $0xFFFFF800  }
0x2a: {  	[spmem:s9] =	stream.linear.scatter [tilespmem:s12], [sflag:$0x5], $0x800, $0x38;
	[tilespmem:$0x6000] =	vst v63  }
0x2b: {  	_ =	swait.ge [sflag:s11], $0x800  }
0x2c: {  	[sflag:s11] =	ssyncset.done $0x0  }
0x2d: {  	[sflag:s11] =	ssyncadd.s32 $0xFFFFF800  }
0x2e: {  	[bflag:$0x0] =	sbarrier.arrive $0xFFFF  }
0x2f: {  	[spmem:s2] =	stream.indirect.scatter.add.f32 [tilespmem:s14], [sflag:$0x1], $0x10, s3, s13, $0xb8;
	[tilespmem:$0x6000] =	vst v63  }
0x30: {  	_ = 	snop  }
0x31: {  	[spmem:s2] =	stream.indirect.scatter.add.f32 [tilespmem:s14], [sflag:$0x2], $0x10, s13, s13, $0xb8;
	[tilespmem:$0x6000] =	vst v63  }
0x32: {  	_ = 	snop  }
0x33: {  	[spmem:s2] =	stream.indirect.scatter.add.f32 [tilespmem:s14], [sflag:$0x3], $0x10, s15, s13, $0xb8;
	[tilespmem:$0x6000] =	vst v63  }
0x34: {  	_ = 	snop  }
0x35: {  	[spmem:s2] =	stream.indirect.scatter.add.f32 [tilespmem:s14], [sflag:$0x4], $0x10, s16, s13, $0xb8;
	[tilespmem:$0x6000] =	vst v63  }
0x36: {  	_ =	swait.ge [sflag:s17], $0x800  }
0x37: {  	[sflag:s17] =	ssyncset.done $0x0  }
0x38: {  	s23 =	simm.s32 $0x200;
	[sflag:s17] =	ssyncadd.s32 $0xFFFFF800  }
0x39: {  	[spmem:s2] =	stream.indirect.scatter.add.f32 [tilespmem:s14], [sflag:$0x1], $0x10, s23, s13, $0xb8;
	[tilespmem:$0x6000] =	vst v63  }
0x3a: {  	_ =	swait.ge [sflag:s18], $0x800  }
0x3b: {  	[sflag:s18] =	ssyncset.done $0x0  }
0x3c: {  	s30 =	simm.s32 $0x280;
	[sflag:s18] =	ssyncadd.s32 $0xFFFFF800  }
0x3d: {  	[spmem:s2] =	stream.indirect.scatter.add.f32 [tilespmem:s14], [sflag:$0x2], $0x10, s30, s13, $0xb8;
	[tilespmem:$0x6000] =	vst v63  }
0x3e: {  	_ =	swait.ge [sflag:s19], $0x800  }
0x3f: {  	[sflag:s19] =	ssyncset.done $0x0  }
0x40: {  	s31 =	simm.s32 $0x300;
	[sflag:s19] =	ssyncadd.s32 $0xFFFFF800  }
0x41: {  	[spmem:s2] =	stream.indirect.scatter.add.f32 [tilespmem:s14], [sflag:$0x3], $0x10, s31, s13, $0xb8;
	[tilespmem:$0x6000] =	vst v63  }
0x42: {  	_ =	swait.ge [sflag:s20], $0x800  }
0x43: {  	[sflag:s20] =	ssyncset.done $0x0  }
0x44: {  	s24 =	simm.s32 $0x380;
	s23 =	simm.s32 $0xFFFF7000;
	[sflag:s20] =	ssyncadd.s32 $0xFFFFF800  }
.LBB2_4:
0x45: {  	[spmem:s2] =	stream.indirect.scatter.add.f32 [tilespmem:s14], [sflag:$0x4], $0x10, s24, s13, $0xb8;
	[tilespmem:$0x6000] =	vst v63  }
0x46: {  	s24 =	smov.u32 s23  }
0x47: {  	p0 =	sne.s32 s23, $0xFFFFF800;
	s23 =	sadd.s32 $0x800, s23;
	_ =	swait.ge [sflag:s17], $0x800  }
0x48: {  	s24 =	sshra.s32 s24, $0x2;
	[sflag:s17] =	ssyncset.done $0x0  }
0x49: {  	s25 =	sadd.s32 $0x2800, s24;
	[sflag:s17] =	ssyncadd.s32 $0xFFFFF800  }
0x4a: {  	[spmem:s2] =	stream.indirect.scatter.add.f32 [tilespmem:s14], [sflag:$0x1], $0x10, s25, s13, $0xb8;
	[tilespmem:$0x6000] =	vst v63  }
0x4b: {  	_ =	swait.ge [sflag:s18], $0x800  }
0x4c: {  	[sflag:s18] =	ssyncset.done $0x0  }
0x4d: {  	s25 =	sadd.s32 $0x2880, s24;
	[sflag:s18] =	ssyncadd.s32 $0xFFFFF800  }
0x4e: {  	[spmem:s2] =	stream.indirect.scatter.add.f32 [tilespmem:s14], [sflag:$0x2], $0x10, s25, s13, $0xb8;
	[tilespmem:$0x6000] =	vst v63  }
0x4f: {  	_ =	swait.ge [sflag:s19], $0x800  }
0x50: {  	[sflag:s19] =	ssyncset.done $0x0  }
.Ltmp1:
0x51: {  	s25 =	sadd.s32 $0x2900, s24;
	[sflag:s19] =	ssyncadd.s32 $0xFFFFF800;
	(pc) =	sbr.rel @p0 .LBB2_4-.Ltmp1, $4  }
0x52: {  	[spmem:s2] =	stream.indirect.scatter.add.f32 [tilespmem:s14], [sflag:$0x3], $0x10, s25, s13, $0xb8;
	[tilespmem:$0x6000] =	vst v63  }
0x53: {  	_ =	swait.ge [sflag:s20], $0x800  }
0x54: {  	[sflag:s20] =	ssyncset.done $0x0  }
0x55: {  	s24 =	sadd.s32 $0x2980, s24;
	[sflag:s20] =	ssyncadd.s32 $0xFFFFF800  }
0x56: {  	[spmem:s2] =	stream.indirect.scatter.add.f32 [tilespmem:s14], [sflag:$0x4], $0x10, s24, s13, $0xb8;
	[tilespmem:$0x6000] =	vst v63  }
0x57: {  	_ =	swait.ge [sflag:s17], $0x800  }
0x58: {  	[sflag:s17] =	ssyncset.done $0x0  }
0x59: {  	[sflag:s17] =	ssyncadd.s32 $0xFFFFF800  }
0x5a: {  	_ =	swait.ge [sflag:s18], $0x800  }
0x5b: {  	[sflag:s18] =	ssyncset.done $0x0  }
0x5c: {  	[sflag:s18] =	ssyncadd.s32 $0xFFFFF800  }
0x5d: {  	_ =	swait.ge [sflag:s19], $0x800  }
0x5e: {  	[sflag:s19] =	ssyncset.done $0x0  }
0x5f: {  	[sflag:s19] =	ssyncadd.s32 $0xFFFFF800  }
0x60: {  	_ =	swait.ge [sflag:s20], $0x800  }
0x61: {  	s23 =	sshll.u32 s0, $0x6;
	s22 =	sadd.s32 $0x1, s22;
	[sflag:s20] =	ssyncset.done $0x0  }
0x62: {  	s31 =	sshrl.u32 s5, $0x3;
	p0 =	sne.s32 s22, s10;
	[sflag:s20] =	ssyncadd.s32 $0xFFFFF800  }
.Ltmp2:
0x63: {  	s23 =	sor.u32 $0x1C05, s23;
	[bflag:$0x0] =	sbarrier.arrive $0xFFFF;
	(pc) =	sbr.rel @p0 .LBB2_1-.Ltmp2, $4  }
0x64: {  	[hbm:s21], [sflag:s23] =	dma.local [spmem:s31], $0x500  }
0x65: {  	_ =	swait.ge [sflag:s11], $0x500  }
0x66: {  	[sflag:s11] =	ssyncset.done $0x0  }
0x67: {  	[sflag:s11] =	ssyncadd.s32 $0xFFFFFB00  }
0x68: {  	_ =	sfence.sel $0x180000  }
0x69: {  	[bflag:$0x0] =	sbarrier.arrive $0xFFFF  }
0x6a: {  	p0 =	sne.s32 s0, $0x0;
	_ =	strace $0x90000047  }
0x6b: {  	s0 =	sadd.s32 @!p0 $0x100000, s1;
	[bflag:$0x2] =	sbarrier.arrive $0xFFFF  }
0x6c: {  	[sflag:s0] =	ssyncadd.tile.s32 @!p0 $0x1;
	_ =	shalt  }
.Lfunc_end2:
_tile_overlayer_lowered:
.L_overlay_start_2:
0x6d: {  	(tag) =	ssettag $0x2  }
0x6e: {  	s0 =	rddreg [dreg:$0x0];
	s2 =	stileid.u32  }
0x6f: {  	s1 =	rddreg [dreg:$0x1];
	p0 =	sne.s32 s2, $0x0  }
0x70: {  	s3 =	rddreg [dreg:$0x2];
	[bflag:$0x3] =	sbarrier.arrive $0xFFFF;
	s2 =	simm.s32 @!p0 $0x1C05  }
0x71: {  	[timem:s3], [sflag:s2] =	dma.local @!p0 [hbm:s0], s1  }
0x72: {  	s0 =	simm.s32 @!p0 $0x5  }
0x73: {  	_ =	swait.ge @!p0 [sflag:s0], s1  }
0x74: {  	s1 =	ssub.s32 @!p0 $0x0, s1;
	[sflag:s0] =	ssyncset.done @!p0 $0x0  }
0x75: {  	[sflag:s0] =	ssyncadd.s32 @!p0 s1  }
0x76: {  	[bflag:$0x3] =	sbarrier.arrive $0xFFFF  }
0x77: {  	_ =	shalt  }

</sc_bundles>
